<compile_context>
chip_gen: v7x
topology: tpu7x:2x2x1
jax: 0.10.2.dev20260603
libtpu: 0.0.44.dev20260713+nightly
codegen_flags: <defaults>
</compile_context>

<pallas_src>
import functools
import math

import jax
import jax.numpy as jnp
from jax import lax
from jax.experimental import pallas as pl
from jax.experimental.pallas import tpu as pltpu
from jax.experimental.pallas import tpu_sc as plsc

_N = 1000000
_B = 16384
_LN_DECAY = math.log(0.95)
_NC, _NS = 2, 16
_NW = _NC * _NS
_CH = 31264
_LAST_LO = (_NW - 1) * _CH
_TAIL = _N - _LAST_LO
_TAIL_OFF = _LAST_LO - (_N - _CH)
_NV = _B // 16
_LI_BITS = 15
_LI_MASK = (1 << _LI_BITS) - 1


def _body(idx_h, t_h, cnt_h, lt_h, outc_h, outlt_h,
          idx_v, t_v, cnt_v, lt_v, pk_v, newc_v, sem_a, sem_b):
    wid = lax.axis_index("s") * _NC + lax.axis_index("c")
    lo = wid * _CH
    hi = jnp.minimum(lo + _CH, _N)
    span = (hi - lo).astype(jnp.uint32)
    phys = pl.multiple_of(jnp.minimum(lo, _N - _CH), 32)
    loff = lo - phys

    cp1 = pltpu.async_copy(idx_h, idx_v, sem_a)
    cp2 = pltpu.async_copy(t_h, t_v, sem_a)
    cp3 = pltpu.async_copy(cnt_h.at[pl.ds(phys, _CH)], cnt_v, sem_b)
    cp4 = pltpu.async_copy(lt_h.at[pl.ds(phys, _CH)], lt_v, sem_b)
    cp1.wait(); cp2.wait()

    @plsc.parallel_loop(0, _NV, unroll=16, carry=jnp.int32(0))
    def _scan(i, off):
        sl = pl.ds(i * 16, 16)
        iv = idx_v[sl]
        mask = (iv - lo).astype(jnp.uint32) < span
        packed = (t_v[sl] << _LI_BITS) + (iv - phys)
        plsc.store_compressed(pk_v.at[pl.ds(off, 16)], packed, mask=mask)
        return off + plsc.all_reduce_population_count(mask)[0]

    m = _scan
    cp3.wait(); cp4.wait()

    lane = lax.iota(jnp.int32, 16)
    nb = (m + 15) // 16

    @plsc.parallel_loop(0, nb, unroll=2)
    def _compute(i):
        base = i * 16
        sl = pl.ds(base, 16)
        pk = pk_v[sl]
        mask = (lane + base) < m
        li = pk & _LI_MASK
        tv = lax.shift_right_logical(pk, _LI_BITS).astype(jnp.float32)
        cnt = plsc.load_gather(cnt_v, [li], mask=mask)
        ltv = plsc.load_gather(lt_v, [li], mask=mask)
        newc_v[sl] = jnp.exp(jnp.maximum(tv - ltv, 0.0) * _LN_DECAY) * cnt + 1.0

    def step_scatter(i, carry):
        base = i * 16
        pk = pk_v[pl.ds(base, 16)]
        nc = newc_v[pl.ds(base, 16)]
        mask = (lane + base) < m
        li = pk & _LI_MASK
        tv = lax.shift_right_logical(pk, _LI_BITS).astype(jnp.float32)
        plsc.store_scatter(cnt_v, [li], nc, mask=mask)
        plsc.store_scatter(lt_v, [li], tv, mask=mask)
        return carry

    lax.fori_loop(0, nb, step_scatter, 0)

    @pl.when(wid < _NW - 1)
    def _():
        w1 = pltpu.async_copy(cnt_v, outc_h.at[pl.ds(lo, _CH)], sem_a)
        w2 = pltpu.async_copy(lt_v, outlt_h.at[pl.ds(lo, _CH)], sem_b)
        w1.wait(); w2.wait()

    @pl.when(wid == _NW - 1)
    def _():
        w1 = pltpu.async_copy(cnt_v.at[pl.ds(_TAIL_OFF, _TAIL)],
                              outc_h.at[pl.ds(_LAST_LO, _TAIL)], sem_a)
        w2 = pltpu.async_copy(lt_v.at[pl.ds(_TAIL_OFF, _TAIL)],
                              outlt_h.at[pl.ds(_LAST_LO, _TAIL)], sem_b)
        w1.wait(); w2.wait()


@functools.lru_cache(maxsize=1)
def _sc_update():
    return functools.partial(
        pl.kernel,
        out_type=(jax.ShapeDtypeStruct((_N,), jnp.float32),
                  jax.ShapeDtypeStruct((_N,), jnp.float32)),
        mesh=plsc.VectorSubcoreMesh(core_axis_name="c", subcore_axis_name="s",
                                    num_cores=_NC, num_subcores=_NS),
        compiler_params=pltpu.CompilerParams(needs_layout_passes=False),
        scratch_types=[
            pltpu.VMEM((_B,), jnp.int32),
            pltpu.VMEM((_B,), jnp.int32),
            pltpu.VMEM((_CH,), jnp.float32),
            pltpu.VMEM((_CH,), jnp.float32),
            pltpu.VMEM((_B + 16,), jnp.int32),
            pltpu.VMEM((_B + 16,), jnp.float32),
            pltpu.SemaphoreType.DMA,
            pltpu.SemaphoreType.DMA,
        ],
    )(_body)


def kernel(idx, t, count, last_time):
    return _sc_update()(idx.astype(jnp.int32), t.astype(jnp.int32),
                        count, last_time)

# --- scband reference (transcript-rebuilt; emitter-appended) ---
"""Pipeline reference for scband-frequency-tracker-76836964926327 (READ-ONLY COPY).

The authoritative reference and input builder live on the scoring server;
editing this copy changes nothing except your own understanding.
"""

import jax, jax.numpy as jnp
import numpy as np

NUM_NODES = 1000000
BATCH = 16384
DECAY = 0.95

def setup_inputs(seed: int = 0) -> dict:
    key = jax.random.key(seed)
    k1, k2, k3, k4 = jax.random.split(key, 4)
    idx = jax.random.randint(k1, (BATCH,), 0, NUM_NODES, dtype=jnp.int64) if jax.config.jax_enable_x64 else jax.random.randint(k1, (BATCH,), 0, NUM_NODES, dtype=jnp.int32)
    t = jax.random.randint(k2, (BATCH,), 0, 100000, dtype=jnp.int32)
    count = jax.random.uniform(k3, (NUM_NODES,), dtype=jnp.float32)
    last_time = jax.random.uniform(k4, (NUM_NODES,), dtype=jnp.float32)
    return {"idx": idx, "t": t, "count": count, "last_time": last_time}

def reference(idx, t, count, last_time):
    # FrequencyTracker.update followed by returning updated buffers
    tf = t.astype(jnp.float32)
    elapsed = jnp.clip(tf - last_time[idx], 0.0, None)
    decay = jnp.power(jnp.float32(DECAY), elapsed)
    new_vals = decay * count[idx] + 1.0
    new_count = count.at[idx].set(new_vals)
    new_last_time = last_time.at[idx].set(tf)
    return new_count, new_last_time

if __name__ == "__main__":
    import jax
    _d = setup_inputs()
    print(jax.jit(kernel)(*tuple(_d.values())))

</pallas_src>

<mosaic_0001>
#map = affine_map<(d0, d1) -> (0)>
module attributes {stable_mosaic.version = 14 : i64} {
  func.func @_body(%arg0: i32, %arg1: i32, %arg2: memref<16384xi32, #tpu.memory_space<hbm>>, %arg3: memref<16384xi32, #tpu.memory_space<hbm>>, %arg4: memref<1000000xf32, #tpu.memory_space<hbm>>, %arg5: memref<1000000xf32, #tpu.memory_space<hbm>>, %arg6: memref<1000000xf32, #tpu.memory_space<hbm>>, %arg7: memref<1000000xf32, #tpu.memory_space<hbm>>, %arg8: memref<16384xi32, #tpu.memory_space<vmem>>, %arg9: memref<16384xi32, #tpu.memory_space<vmem>>, %arg10: memref<31264xf32, #tpu.memory_space<vmem>>, %arg11: memref<31264xf32, #tpu.memory_space<vmem>>, %arg12: memref<16400xi32, #tpu.memory_space<vmem>>, %arg13: memref<16400xf32, #tpu.memory_space<vmem>>, %arg14: memref<!tpu.dma_semaphore, #tpu.memory_space<semaphore_mem>>, %arg15: memref<!tpu.dma_semaphore, #tpu.memory_space<semaphore_mem>>) attributes {dimension_semantics = [#tpu.dimension_semantics<core_parallel>, #tpu.dimension_semantics<subcore_parallel>], iteration_bounds = array<i64: 2, 16>, scalar_prefetch = 0 : i64, scratch_operands = 8 : i64, tpu.core_type = #tpu.core_type<sc_vector_subcore>, window_params = [{transform_indices = #map}, {transform_indices = #map}, {transform_indices = #map}, {transform_indices = #map}, {transform_indices = #map}, {transform_indices = #map}]} {
    %mul3A = arith.constant 2 : i32
    %mul3A_0 = arith.muli %arg1, %mul3A : i32
    %add3A = arith.addi %mul3A_0, %arg0 : i32
    %mul3A_1 = arith.constant 31264 : i32
    %mul3A_2 = arith.muli %add3A, %mul3A_1 : i32
    %add3A_3 = arith.constant 31264 : i32
    %add3A_4 = arith.addi %mul3A_2, %add3A_3 : i32
    %min3A = arith.constant 1000000 : i32
    %min3A_5 = arith.minsi %add3A_4, %min3A : i32
    %sub3A = arith.subi %min3A_5, %mul3A_2 : i32
    %min3A_6 = arith.constant 968736 : i32
    %min3A_7 = arith.minsi %mul3A_2, %min3A_6 : i32
    %multiple_of3A = tpu.assume_multiple %min3A_7, 32 : i32
    %sub3A_8 = arith.subi %mul3A_2, %multiple_of3A : i32
    tpu.enqueue_dma source(%arg2 : memref<16384xi32, #tpu.memory_space<hbm>>) target(%arg8 : memref<16384xi32, #tpu.memory_space<vmem>>) target_semaphore(%arg14 : memref<!tpu.dma_semaphore, #tpu.memory_space<semaphore_mem>>)
    tpu.enqueue_dma source(%arg3 : memref<16384xi32, #tpu.memory_space<hbm>>) target(%arg9 : memref<16384xi32, #tpu.memory_space<vmem>>) target_semaphore(%arg14 : memref<!tpu.dma_semaphore, #tpu.memory_space<semaphore_mem>>)
    %dma_start3A = tpu.memref_slice %arg4[%multiple_of3A] : memref<1000000xf32, #tpu.memory_space<hbm>> -> memref<31264xf32, #tpu.memory_space<hbm>>
    %dma_start3A_9 = tpu.memref_slice %arg4[%multiple_of3A] : memref<1000000xf32, #tpu.memory_space<hbm>> -> memref<31264xf32, #tpu.memory_space<hbm>>
    tpu.enqueue_dma source(%dma_start3A_9 : memref<31264xf32, #tpu.memory_space<hbm>>) target(%arg10 : memref<31264xf32, #tpu.memory_space<vmem>>) target_semaphore(%arg15 : memref<!tpu.dma_semaphore, #tpu.memory_space<semaphore_mem>>)
    %dma_start3A_10 = tpu.memref_slice %arg5[%multiple_of3A] : memref<1000000xf32, #tpu.memory_space<hbm>> -> memref<31264xf32, #tpu.memory_space<hbm>>
    %dma_start3A_11 = tpu.memref_slice %arg5[%multiple_of3A] : memref<1000000xf32, #tpu.memory_space<hbm>> -> memref<31264xf32, #tpu.memory_space<hbm>>
    tpu.enqueue_dma source(%dma_start3A_11 : memref<31264xf32, #tpu.memory_space<hbm>>) target(%arg11 : memref<31264xf32, #tpu.memory_space<vmem>>) target_semaphore(%arg15 : memref<!tpu.dma_semaphore, #tpu.memory_space<semaphore_mem>>)
    tpu.wait_dma2 semaphore(%arg14 : memref<!tpu.dma_semaphore, #tpu.memory_space<semaphore_mem>>) src(%arg2 : memref<16384xi32, #tpu.memory_space<hbm>>) dst(%arg8 : memref<16384xi32, #tpu.memory_space<vmem>>)
    tpu.wait_dma2 semaphore(%arg14 : memref<!tpu.dma_semaphore, #tpu.memory_space<semaphore_mem>>) src(%arg3 : memref<16384xi32, #tpu.memory_space<hbm>>) dst(%arg9 : memref<16384xi32, #tpu.memory_space<vmem>>)
    %parallel_loop3A = arith.constant 0 : i32
    %parallel_loop3A_12 = arith.constant 1024 : i32
    %parallel_loop3A_13 = arith.constant 1 : i32
    %parallel_loop3A_14 = arith.constant 0 : i32
    %parallel_loop3A_15 = scf.for %parallel_loop3A_55 = %parallel_loop3A to %parallel_loop3A_12 step %parallel_loop3A_13 iter_args(%parallel_loop3A_56 = %parallel_loop3A_14) -> (i32)  : i32 {
      %parallel_loop3A_57 = arith.constant 16 : i32
      %parallel_loop3A_58 = arith.muli %parallel_loop3A_55, %parallel_loop3A_57 : i32
      %parallel_loop3A_59 = arith.index_cast %parallel_loop3A_58 : i32 to index
      %parallel_loop3A_60 = tpu.vector_load %arg8[%parallel_loop3A_59] {strides = array<i32>} : memref<16384xi32, #tpu.memory_space<vmem>>, vector<16xi32>,
      %parallel_loop3A_61 = vector.broadcast %mul3A_2 : i32 to vector<16xi32>
      %parallel_loop3A_62 = arith.subi %parallel_loop3A_60, %parallel_loop3A_61 : vector<16xi32>
      %parallel_loop3A_63 = vector.broadcast %sub3A : i32 to vector<16xi32>
      %parallel_loop3A_64 = arith.cmpi ult, %parallel_loop3A_62, %parallel_loop3A_63 : vector<16xi32>
      %parallel_loop3A_65 = arith.index_cast %parallel_loop3A_58 : i32 to index
      %parallel_loop3A_66 = tpu.vector_load %arg9[%parallel_loop3A_65] {strides = array<i32>} : memref<16384xi32, #tpu.memory_space<vmem>>, vector<16xi32>,
      %parallel_loop3A_67 = arith.constant 15 : i32
      %parallel_loop3A_68 = vector.broadcast %parallel_loop3A_67 : i32 to vector<16xi32>
      %parallel_loop3A_69 = arith.shli %parallel_loop3A_66, %parallel_loop3A_68 : vector<16xi32>
      %parallel_loop3A_70 = vector.broadcast %multiple_of3A : i32 to vector<16xi32>
      %parallel_loop3A_71 = arith.subi %parallel_loop3A_60, %parallel_loop3A_70 : vector<16xi32>
      %parallel_loop3A_72 = arith.addi %parallel_loop3A_69, %parallel_loop3A_71 : vector<16xi32>
      %parallel_loop3A_73 = arith.index_cast %parallel_loop3A_56 : i32 to index
      %parallel_loop3A_74 = tpu.vector_load %arg12[%parallel_loop3A_73] masked %parallel_loop3A_64 {strides = array<i32>} : memref<16400xi32, #tpu.memory_space<vmem>>, vector<16xi32>, vector<16xi1>
      tpu.vector_store %arg12[%parallel_loop3A_73], %parallel_loop3A_72 masked %parallel_loop3A_64 {strides = array<i32>} : memref<16400xi32, #tpu.memory_space<vmem>>, vector<16xi32>, vector<16xi1>
      %parallel_loop3A_75 = tpu.all_reduce %parallel_loop3A_64 {dim = 0 : i64, kind = #tpu.reduction_kind<sum>} : vector<16xi1> -> vector<16xi32>
      %parallel_loop3A_76 = vector.extract_strided_slice %parallel_loop3A_75 {offsets = [0], sizes = [1], strides = [1]} : vector<16xi32> to vector<1xi32>
      %parallel_loop3A_77 = vector.extract %parallel_loop3A_76[0] : i32 from vector<1xi32>
      %parallel_loop3A_78 = arith.addi %parallel_loop3A_56, %parallel_loop3A_77 : i32
      scf.yield %parallel_loop3A_78 : i32
    } {sc.loop_unroll_factor = 16 : i64, sc.parallel_access}
    %dma_wait3A = tpu.memref_slice %arg4[%multiple_of3A] : memref<1000000xf32, #tpu.memory_space<hbm>> -> memref<31264xf32, #tpu.memory_space<hbm>>
    %dma_wait3A_16 = tpu.memref_slice %arg4[%multiple_of3A] : memref<1000000xf32, #tpu.memory_space<hbm>> -> memref<31264xf32, #tpu.memory_space<hbm>>
    tpu.wait_dma2 semaphore(%arg15 : memref<!tpu.dma_semaphore, #tpu.memory_space<semaphore_mem>>) src(%dma_wait3A_16 : memref<31264xf32, #tpu.memory_space<hbm>>) dst(%arg10 : memref<31264xf32, #tpu.memory_space<vmem>>)
    %dma_wait3A_17 = tpu.memref_slice %arg5[%multiple_of3A] : memref<1000000xf32, #tpu.memory_space<hbm>> -> memref<31264xf32, #tpu.memory_space<hbm>>
    %dma_wait3A_18 = tpu.memref_slice %arg5[%multiple_of3A] : memref<1000000xf32, #tpu.memory_space<hbm>> -> memref<31264xf32, #tpu.memory_space<hbm>>
    tpu.wait_dma2 semaphore(%arg15 : memref<!tpu.dma_semaphore, #tpu.memory_space<semaphore_mem>>) src(%dma_wait3A_18 : memref<31264xf32, #tpu.memory_space<hbm>>) dst(%arg11 : memref<31264xf32, #tpu.memory_space<vmem>>)
    %iota3A = tpu.iota {dimensions = array<i32: 0>} : vector<16xi32>
    %add3A_19 = arith.constant 15 : i32
    %add3A_20 = arith.addi %parallel_loop3A_15, %add3A_19 : i32
    %jit3A = arith.constant 16 : i32
    %div3A = arith.divsi %add3A_20, %jit3A : i32
    %sign3A = arith.constant 0 : i32
    %sign3A_21 = arith.cmpi sgt, %add3A_20, %sign3A : i32
    %sign3A_22 = arith.extui %sign3A_21 : i1 to i32
    %sign3A_23 = arith.constant 0 : i32
    %sign3A_24 = arith.cmpi slt, %add3A_20, %sign3A_23 : i32
    %sign3A_25 = arith.extui %sign3A_24 : i1 to i32
    %sign3A_26 = arith.subi %sign3A_22, %sign3A_25 : i32
    %sign3A_27 = arith.constant 0 : i32
    %sign3A_28 = arith.cmpi sgt, %jit3A, %sign3A_27 : i32
    %sign3A_29 = arith.extui %sign3A_28 : i1 to i32
    %sign3A_30 = arith.constant 0 : i32
    %sign3A_31 = arith.cmpi slt, %jit3A, %sign3A_30 : i32
    %sign3A_32 = arith.extui %sign3A_31 : i1 to i32
    %sign3A_33 = arith.subi %sign3A_29, %sign3A_32 : i32
    %ne3A = arith.cmpi ne, %sign3A_26, %sign3A_33 : i32
    %rem3A = arith.remsi %add3A_20, %jit3A : i32
    %ne3A_34 = arith.constant 0 : i32
    %ne3A_35 = arith.cmpi ne, %rem3A, %ne3A_34 : i32
    %and3A = arith.andi %ne3A, %ne3A_35 : i1
    %sub3A_36 = arith.constant 1 : i32
    %sub3A_37 = arith.subi %div3A, %sub3A_36 : i32
    %select_n3A = arith.select %and3A, %sub3A_37, %div3A : i32
    %parallel_loop3A_38 = arith.constant 0 : i32
    %parallel_loop3A_39 = arith.constant 1 : i32
    scf.for %parallel_loop3A_55 = %parallel_loop3A_38 to %select_n3A step %parallel_loop3A_39  : i32 {
      %parallel_loop3A_56 = arith.constant 16 : i32
      %parallel_loop3A_57 = arith.muli %parallel_loop3A_55, %parallel_loop3A_56 : i32
      %parallel_loop3A_58 = arith.index_cast %parallel_loop3A_57 : i32 to index
      %parallel_loop3A_59 = tpu.vector_load %arg12[%parallel_loop3A_58] {strides = array<i32>} : memref<16400xi32, #tpu.memory_space<vmem>>, vector<16xi32>,
      %parallel_loop3A_60 = vector.broadcast %parallel_loop3A_57 : i32 to vector<16xi32>
      %parallel_loop3A_61 = arith.addi %iota3A, %parallel_loop3A_60 : vector<16xi32>
      %parallel_loop3A_62 = vector.broadcast %parallel_loop3A_15 : i32 to vector<16xi32>
      %parallel_loop3A_63 = arith.cmpi slt, %parallel_loop3A_61, %parallel_loop3A_62 : vector<16xi32>
      %parallel_loop3A_64 = arith.constant 32767 : i32
      %parallel_loop3A_65 = vector.broadcast %parallel_loop3A_64 : i32 to vector<16xi32>
      %parallel_loop3A_66 = arith.andi %parallel_loop3A_59, %parallel_loop3A_65 : vector<16xi32>
      %parallel_loop3A_67 = arith.constant 15 : i32
      %parallel_loop3A_68 = vector.broadcast %parallel_loop3A_67 : i32 to vector<16xi32>
      %parallel_loop3A_69 = arith.shrui %parallel_loop3A_59, %parallel_loop3A_68 : vector<16xi32>
      %parallel_loop3A_70 = arith.sitofp %parallel_loop3A_69 : vector<16xi32> to vector<16xf32>
      %parallel_loop3A_71 = tpu.vector_load_idx %arg10[%parallel_loop3A_66] masked %parallel_loop3A_63 : memref<31264xf32, #tpu.memory_space<vmem>>[vector<16xi32>], vector<16xf32>, vector<16xi1>
      %parallel_loop3A_72 = tpu.vector_load_idx %arg11[%parallel_loop3A_66] masked %parallel_loop3A_63 : memref<31264xf32, #tpu.memory_space<vmem>>[vector<16xi32>], vector<16xf32>, vector<16xi1>
      %parallel_loop3A_73 = arith.subf %parallel_loop3A_70, %parallel_loop3A_72 : vector<16xf32>
      %parallel_loop3A_74 = arith.constant 0.000000e+00 : f32
      %parallel_loop3A_75 = vector.broadcast %parallel_loop3A_74 : f32 to vector<16xf32>
      %parallel_loop3A_76 = arith.maximumf %parallel_loop3A_73, %parallel_loop3A_75 : vector<16xf32>
      %parallel_loop3A_77 = arith.constant -0.0512932949 : f32
      %parallel_loop3A_78 = vector.broadcast %parallel_loop3A_77 : f32 to vector<16xf32>
      %parallel_loop3A_79 = arith.mulf %parallel_loop3A_76, %parallel_loop3A_78 : vector<16xf32>
      %parallel_loop3A_80 = math.exp %parallel_loop3A_79 : vector<16xf32>
      %parallel_loop3A_81 = arith.mulf %parallel_loop3A_80, %parallel_loop3A_71 : vector<16xf32>
      %parallel_loop3A_82 = arith.constant 1.000000e+00 : f32
      %parallel_loop3A_83 = vector.broadcast %parallel_loop3A_82 : f32 to vector<16xf32>
      %parallel_loop3A_84 = arith.addf %parallel_loop3A_81, %parallel_loop3A_83 : vector<16xf32>
      %parallel_loop3A_85 = arith.index_cast %parallel_loop3A_57 : i32 to index
      %parallel_loop3A_86 = tpu.vector_load %arg13[%parallel_loop3A_85] {strides = array<i32>} : memref<16400xf32, #tpu.memory_space<vmem>>, vector<16xf32>,
      tpu.vector_store %arg13[%parallel_loop3A_85], %parallel_loop3A_84 {strides = array<i32>} : memref<16400xf32, #tpu.memory_space<vmem>>, vector<16xf32>,
    } {sc.loop_unroll_factor = 2 : i64, sc.parallel_access}
    %while3A = arith.constant 0 : i32
    %while3A_40 = arith.constant 0 : i32
    %while3A_41 = arith.subi %select_n3A, %while3A_40 : i32
    %while3A_42 = arith.addi %while3A_40, %while3A_41 : i32
    %while3A_43 = arith.constant 1 : i32
    %while3A_44 = arith.divsi %while3A_41, %while3A_43 : i32
    %while3A_45 = arith.muli %while3A_44, %while3A_43 : i32
    %while3A_46 = arith.addi %while3A_40, %while3A_45 : i32
    %while3A_47 = arith.constant 1 : i32
    scf.for %while3A_55 = %while3A_40 to %while3A_46 step %while3A_47  : i32 {
      %mul3A_56 = arith.constant 16 : i32
      %mul3A_57 = arith.muli %while3A_55, %mul3A_56 : i32
      %get3A = arith.index_cast %mul3A_57 : i32 to index
      %get3A_58 = tpu.vector_load %arg12[%get3A] {strides = array<i32>} : memref<16400xi32, #tpu.memory_space<vmem>>, vector<16xi32>,
      %get3A_59 = arith.index_cast %mul3A_57 : i32 to index
      %get3A_60 = tpu.vector_load %arg13[%get3A_59] {strides = array<i32>} : memref<16400xf32, #tpu.memory_space<vmem>>, vector<16xf32>,
      %add3A_61 = vector.broadcast %mul3A_57 : i32 to vector<16xi32>
      %add3A_62 = arith.addi %iota3A, %add3A_61 : vector<16xi32>
      %lt3A_63 = vector.broadcast %parallel_loop3A_15 : i32 to vector<16xi32>
      %lt3A_64 = arith.cmpi slt, %add3A_62, %lt3A_63 : vector<16xi32>
      %and3A_65 = arith.constant 32767 : i32
      %and3A_66 = vector.broadcast %and3A_65 : i32 to vector<16xi32>
      %and3A_67 = arith.andi %get3A_58, %and3A_66 : vector<16xi32>
      %shift_right_logical3A = arith.constant 15 : i32
      %shift_right_logical3A_68 = vector.broadcast %shift_right_logical3A : i32 to vector<16xi32>
      %shift_right_logical3A_69 = arith.shrui %get3A_58, %shift_right_logical3A_68 : vector<16xi32>
      %convert_element_type3A_70 = arith.sitofp %shift_right_logical3A_69 : vector<16xi32> to vector<16xf32>
      tpu.vector_store_idx %arg10[%and3A_67], %get3A_60 masked %lt3A_64 : memref<31264xf32, #tpu.memory_space<vmem>>[vector<16xi32>], vector<16xf32>, vector<16xi1>
      tpu.vector_store_idx %arg11[%and3A_67], %convert_element_type3A_70 masked %lt3A_64 : memref<31264xf32, #tpu.memory_space<vmem>>[vector<16xi32>], vector<16xf32>, vector<16xi1>
    }
    %while3A_48 = arith.constant 1 : i32
    scf.for %while3A_55 = %while3A_46 to %while3A_42 step %while3A_48  : i32 {
      %mul3A_56 = arith.constant 16 : i32
      %mul3A_57 = arith.muli %while3A_55, %mul3A_56 : i32
      %get3A = arith.index_cast %mul3A_57 : i32 to index
      %get3A_58 = tpu.vector_load %arg12[%get3A] {strides = array<i32>} : memref<16400xi32, #tpu.memory_space<vmem>>, vector<16xi32>,
      %get3A_59 = arith.index_cast %mul3A_57 : i32 to index
      %get3A_60 = tpu.vector_load %arg13[%get3A_59] {strides = array<i32>} : memref<16400xf32, #tpu.memory_space<vmem>>, vector<16xf32>,
      %add3A_61 = vector.broadcast %mul3A_57 : i32 to vector<16xi32>
      %add3A_62 = arith.addi %iota3A, %add3A_61 : vector<16xi32>
      %lt3A_63 = vector.broadcast %parallel_loop3A_15 : i32 to vector<16xi32>
      %lt3A_64 = arith.cmpi slt, %add3A_62, %lt3A_63 : vector<16xi32>
      %and3A_65 = arith.constant 32767 : i32
      %and3A_66 = vector.broadcast %and3A_65 : i32 to vector<16xi32>
      %and3A_67 = arith.andi %get3A_58, %and3A_66 : vector<16xi32>
      %shift_right_logical3A = arith.constant 15 : i32
      %shift_right_logical3A_68 = vector.broadcast %shift_right_logical3A : i32 to vector<16xi32>
      %shift_right_logical3A_69 = arith.shrui %get3A_58, %shift_right_logical3A_68 : vector<16xi32>
      %convert_element_type3A_70 = arith.sitofp %shift_right_logical3A_69 : vector<16xi32> to vector<16xf32>
      tpu.vector_store_idx %arg10[%and3A_67], %get3A_60 masked %lt3A_64 : memref<31264xf32, #tpu.memory_space<vmem>>[vector<16xi32>], vector<16xf32>, vector<16xi1>
      tpu.vector_store_idx %arg11[%and3A_67], %convert_element_type3A_70 masked %lt3A_64 : memref<31264xf32, #tpu.memory_space<vmem>>[vector<16xi32>], vector<16xf32>, vector<16xi1>
    }
    %lt3A = arith.constant 31 : i32
    %lt3A_49 = arith.cmpi slt, %add3A, %lt3A : i32
    %convert_element_type3A = arith.extui %lt3A_49 : i1 to i32
    %cond3A = arith.constant 0 : i32
    %cond3A_50 = arith.cmpi ne, %convert_element_type3A, %cond3A : i32
    scf.if %cond3A_50 {
      %dma_start3A_55 = tpu.memref_slice %arg6[%mul3A_2] : memref<1000000xf32, #tpu.memory_space<hbm>> -> memref<31264xf32, #tpu.memory_space<hbm>>
      %dma_start3A_56 = tpu.memref_slice %arg6[%mul3A_2] : memref<1000000xf32, #tpu.memory_space<hbm>> -> memref<31264xf32, #tpu.memory_space<hbm>>
      tpu.enqueue_dma source(%arg10 : memref<31264xf32, #tpu.memory_space<vmem>>) target(%dma_start3A_56 : memref<31264xf32, #tpu.memory_space<hbm>>) target_semaphore(%arg14 : memref<!tpu.dma_semaphore, #tpu.memory_space<semaphore_mem>>)
      %dma_start3A_57 = tpu.memref_slice %arg7[%mul3A_2] : memref<1000000xf32, #tpu.memory_space<hbm>> -> memref<31264xf32, #tpu.memory_space<hbm>>
      %dma_start3A_58 = tpu.memref_slice %arg7[%mul3A_2] : memref<1000000xf32, #tpu.memory_space<hbm>> -> memref<31264xf32, #tpu.memory_space<hbm>>
      tpu.enqueue_dma source(%arg11 : memref<31264xf32, #tpu.memory_space<vmem>>) target(%dma_start3A_58 : memref<31264xf32, #tpu.memory_space<hbm>>) target_semaphore(%arg15 : memref<!tpu.dma_semaphore, #tpu.memory_space<semaphore_mem>>)
      %dma_wait3A_59 = tpu.memref_slice %arg6[%mul3A_2] : memref<1000000xf32, #tpu.memory_space<hbm>> -> memref<31264xf32, #tpu.memory_space<hbm>>
      %dma_wait3A_60 = tpu.memref_slice %arg6[%mul3A_2] : memref<1000000xf32, #tpu.memory_space<hbm>> -> memref<31264xf32, #tpu.memory_space<hbm>>
      tpu.wait_dma2 semaphore(%arg14 : memref<!tpu.dma_semaphore, #tpu.memory_space<semaphore_mem>>) src(%arg10 : memref<31264xf32, #tpu.memory_space<vmem>>) dst(%dma_wait3A_60 : memref<31264xf32, #tpu.memory_space<hbm>>)
      %dma_wait3A_61 = tpu.memref_slice %arg7[%mul3A_2] : memref<1000000xf32, #tpu.memory_space<hbm>> -> memref<31264xf32, #tpu.memory_space<hbm>>
      %dma_wait3A_62 = tpu.memref_slice %arg7[%mul3A_2] : memref<1000000xf32, #tpu.memory_space<hbm>> -> memref<31264xf32, #tpu.memory_space<hbm>>
      tpu.wait_dma2 semaphore(%arg15 : memref<!tpu.dma_semaphore, #tpu.memory_space<semaphore_mem>>) src(%arg11 : memref<31264xf32, #tpu.memory_space<vmem>>) dst(%dma_wait3A_62 : memref<31264xf32, #tpu.memory_space<hbm>>)
    } else {
    }
    %eq3A = arith.constant 31 : i32
    %eq3A_51 = arith.cmpi eq, %add3A, %eq3A : i32
    %convert_element_type3A_52 = arith.extui %eq3A_51 : i1 to i32
    %cond3A_53 = arith.constant 0 : i32
    %cond3A_54 = arith.cmpi ne, %convert_element_type3A_52, %cond3A_53 : i32
    scf.if %cond3A_54 {
      %dma_start3A_55 = arith.constant 448 : i32
      %dma_start3A_56 = tpu.memref_slice %arg10[%dma_start3A_55] : memref<31264xf32, #tpu.memory_space<vmem>> -> memref<30816xf32, #tpu.memory_space<vmem>>
      %dma_start3A_57 = arith.constant 969184 : i32
      %dma_start3A_58 = tpu.memref_slice %arg6[%dma_start3A_57] : memref<1000000xf32, #tpu.memory_space<hbm>> -> memref<30816xf32, #tpu.memory_space<hbm>>
      %dma_start3A_59 = arith.constant 969184 : i32
      %dma_start3A_60 = tpu.memref_slice %arg6[%dma_start3A_59] : memref<1000000xf32, #tpu.memory_space<hbm>> -> memref<30816xf32, #tpu.memory_space<hbm>>
      %dma_start3A_61 = arith.constant 448 : i32
      %dma_start3A_62 = tpu.memref_slice %arg10[%dma_start3A_61] : memref<31264xf32, #tpu.memory_space<vmem>> -> memref<30816xf32, #tpu.memory_space<vmem>>
      tpu.enqueue_dma source(%dma_start3A_62 : memref<30816xf32, #tpu.memory_space<vmem>>) target(%dma_start3A_60 : memref<30816xf32, #tpu.memory_space<hbm>>) target_semaphore(%arg14 : memref<!tpu.dma_semaphore, #tpu.memory_space<semaphore_mem>>)
      %dma_start3A_63 = arith.constant 448 : i32
      %dma_start3A_64 = tpu.memref_slice %arg11[%dma_start3A_63] : memref<31264xf32, #tpu.memory_space<vmem>> -> memref<30816xf32, #tpu.memory_space<vmem>>
      %dma_start3A_65 = arith.constant 969184 : i32
      %dma_start3A_66 = tpu.memref_slice %arg7[%dma_start3A_65] : memref<1000000xf32, #tpu.memory_space<hbm>> -> memref<30816xf32, #tpu.memory_space<hbm>>
      %dma_start3A_67 = arith.constant 969184 : i32
      %dma_start3A_68 = tpu.memref_slice %arg7[%dma_start3A_67] : memref<1000000xf32, #tpu.memory_space<hbm>> -> memref<30816xf32, #tpu.memory_space<hbm>>
      %dma_start3A_69 = arith.constant 448 : i32
      %dma_start3A_70 = tpu.memref_slice %arg11[%dma_start3A_69] : memref<31264xf32, #tpu.memory_space<vmem>> -> memref<30816xf32, #tpu.memory_space<vmem>>
      tpu.enqueue_dma source(%dma_start3A_70 : memref<30816xf32, #tpu.memory_space<vmem>>) target(%dma_start3A_68 : memref<30816xf32, #tpu.memory_space<hbm>>) target_semaphore(%arg15 : memref<!tpu.dma_semaphore, #tpu.memory_space<semaphore_mem>>)
      %dma_wait3A_71 = arith.constant 448 : i32
      %dma_wait3A_72 = tpu.memref_slice %arg10[%dma_wait3A_71] : memref<31264xf32, #tpu.memory_space<vmem>> -> memref<30816xf32, #tpu.memory_space<vmem>>
      %dma_wait3A_73 = arith.constant 969184 : i32
      %dma_wait3A_74 = tpu.memref_slice %arg6[%dma_wait3A_73] : memref<1000000xf32, #tpu.memory_space<hbm>> -> memref<30816xf32, #tpu.memory_space<hbm>>
      %dma_wait3A_75 = arith.constant 969184 : i32
      %dma_wait3A_76 = tpu.memref_slice %arg6[%dma_wait3A_75] : memref<1000000xf32, #tpu.memory_space<hbm>> -> memref<30816xf32, #tpu.memory_space<hbm>>
      %dma_wait3A_77 = arith.constant 448 : i32
      %dma_wait3A_78 = tpu.memref_slice %arg10[%dma_wait3A_77] : memref<31264xf32, #tpu.memory_space<vmem>> -> memref<30816xf32, #tpu.memory_space<vmem>>
      tpu.wait_dma2 semaphore(%arg14 : memref<!tpu.dma_semaphore, #tpu.memory_space<semaphore_mem>>) src(%dma_wait3A_78 : memref<30816xf32, #tpu.memory_space<vmem>>) dst(%dma_wait3A_76 : memref<30816xf32, #tpu.memory_space<hbm>>)
      %dma_wait3A_79 = arith.constant 448 : i32
      %dma_wait3A_80 = tpu.memref_slice %arg11[%dma_wait3A_79] : memref<31264xf32, #tpu.memory_space<vmem>> -> memref<30816xf32, #tpu.memory_space<vmem>>
      %dma_wait3A_81 = arith.constant 969184 : i32
      %dma_wait3A_82 = tpu.memref_slice %arg7[%dma_wait3A_81] : memref<1000000xf32, #tpu.memory_space<hbm>> -> memref<30816xf32, #tpu.memory_space<hbm>>
      %dma_wait3A_83 = arith.constant 969184 : i32
      %dma_wait3A_84 = tpu.memref_slice %arg7[%dma_wait3A_83] : memref<1000000xf32, #tpu.memory_space<hbm>> -> memref<30816xf32, #tpu.memory_space<hbm>>
      %dma_wait3A_85 = arith.constant 448 : i32
      %dma_wait3A_86 = tpu.memref_slice %arg11[%dma_wait3A_85] : memref<31264xf32, #tpu.memory_space<vmem>> -> memref<30816xf32, #tpu.memory_space<vmem>>
      tpu.wait_dma2 semaphore(%arg15 : memref<!tpu.dma_semaphore, #tpu.memory_space<semaphore_mem>>) src(%dma_wait3A_86 : memref<30816xf32, #tpu.memory_space<vmem>>) dst(%dma_wait3A_84 : memref<30816xf32, #tpu.memory_space<hbm>>)
    } else {
    }
    return
  }
}

</mosaic_0001>

<sc_bundles>
// kernel: kernel.3.cloned.1.call-start
scs
__scs_entry_jumppad:
0x0: {  	(pc) =	sbr.rel $0x88, $3  }
0x1: {  	(tag) =	ssettag $0x0;
	lr =	simm.s32 $0x1  }
0x2: {  	[smem:$0x3F9D] =	sst lr;
	_ =	strace $0xD0000000  }
0x3: {  	_ = 	snop  }
0x4: {  	_ = 	snop  }
0x5: {  	_ = 	snop  }
0x6: {  	_ = 	snop  }
0x7: {  	_ = 	snop  }
__scs_overlays_trampoline_lowered:
0x8: {  	[smem:$0x3FAC] =	sst s0  }
0x9: {  	[smem:$0x3FAD] =	sst s1  }
0xa: {  	[smem:$0x3FAE] =	sst s2  }
0xb: {  	[smem:$0x3FAF] =	sst s3  }
0xc: {  	[smem:$0x3FB0] =	sst s4  }
0xd: {  	[smem:$0x3FB1] =	sst s5  }
0xe: {  	[smem:$0x3FB2] =	sst s6  }
0xf: {  	[smem:$0x3FB3] =	sst s7  }
0x10: {  	[smem:$0x3FB4] =	sst s8  }
0x11: {  	[smem:$0x3FB5] =	sst s9;
	s0 =	simm.s32 @!p0 $0x0  }
0x12: {  	s1 =	sld [smem:$0x3F9B];
	s0 =	simm.s32 @p0 $0x1  }
0x13: {  	[smem:$0x3FB6] =	sst s0;
	s0 =	simm.s32 @!p1 $0x0  }
0x14: {  	s2 =	sld [smem:$0x3F9A];
	s0 =	simm.s32 @p1 $0x1  }
0x15: {  	[smem:$0x3FB7] =	sst s0;
	s0 =	simm.s32 @!p2 $0x0  }
0x16: {  	s3 =	sld [smem:$0x3FDB];
	s0 =	simm.s32 @p2 $0x1  }
0x17: {  	s4 =	simm.s32 $0x1BF5;
	[smem:$0x3FB9] =	sst s0  }
0x18: {  	s0 =	sld [smem:$0x3F9C];
	_ =	swait.ge [sflag:s4], $0x0  }
0x19: {  	s7 =	sld [smem:$0x3F9D]  }
0x1a: {  	s8 =	sadd.s32 $0xFFFFE003, lr  }
0x1b: {  	s9 =	sadd.s32 $0xFFFFFEF7, lr;
	s5 =	simm.s32 $0xFFFFFFFF;
	p2 =	slt.u32 s8, $0xFFFFF086  }
0x1c: {  	p1 =	slt.u32 s9, $0xF7A;
	s5 =	simm.s32 @!p2 $0x0  }
0x1d: {  	s5 =	simm.s32 @p1 $0x1;
	p0 =	seq.s32 s7, s2  }
0x1e: {  	s7 =	smul.u32 @!p0 $0xF7A, s2;
	p2 =	seq.s32 @!p0 s5, $0x0  }
0x1f: {  	s9 =	smul.u32 $0xF7A, s1;
	s8 =	simm.s32 @!p0 $0x1BF5;
	p2 =	por !p2, p0  }
0x20: {  	[sflag:s8] =	ssyncset.s32 @!p0 $0xFFFFF086;
	s6 =	sadd.s32 @!p0 s3, s7;
	s7 =	simm.s32 @!p0 $0x108  }
0x21: {  	s3 =	sadd.s32 s3, s9;
	s6 =	sadd.s32 @!p0 $0x88, s6;
	s7 =	simm.s32 @p2 $0x1082  }
0x22: {  	[simem:s7], [sflag:s8] =	dma.local @!p0 [hbm:s6], $0xF7A  }
0x23: {  	s9 =	sor.u32 $0xD0000000, s2;
	s6 =	simm.s32 $0x108;
	_ =	swait.ge @!p0 [sflag:s8], $0x0  }
0x24: {  	s3 =	sadd.s32 $0x88, s3;
	s6 =	simm.s32 @!p1 $0x1082;
	[sflag:s4] =	ssyncset.s32 $0xFFFFF086  }
0x25: {  	[simem:s6], [sflag:s4] =	dma.local [hbm:s3], $0xF7A  }
0x26: {  	[smem:$0x3F9D] =	sst s1;
	(tag) =	ssettag s2;
	_ =	strace s9  }
0x27: {  	s1 =	sld [smem:$0x3FAD]  }
0x28: {  	s2 =	sld [smem:$0x3FAE]  }
0x29: {  	s4 =	sld [smem:$0x3FB0]  }
0x2a: {  	p0 =	seq.s32 s5, $0x0;
	s5 =	sld [smem:$0x3FB1]  }
0x2b: {  	s6 =	sld [smem:$0x3FB2]  }
0x2c: {  	s7 =	sld [smem:$0x3FB3]  }
0x2d: {  	s3 =	simm.s32 $0x108;
	s8 =	sld [smem:$0x3FB4]  }
0x2e: {  	s3 =	simm.s32 @!p0 $0x1082;
	s9 =	sld [smem:$0x3FB5]  }
0x2f: {  	lr =	sadd.s32 s0, s3;
	s0 =	sld [smem:$0x3FAC]  }
0x30: {  	s3 =	sld [smem:$0x3FAF]  }
0x31: {  	[smem:$0x3FB8] =	sst s10  }
0x32: {  	s10 =	sld [smem:$0x3FB6];
	_ =	sdelay $0x3  }
0x33: {  	p0 =	seq.s32 s10, $0x1;
	s10 =	sld [smem:$0x3FB8];
	_ =	sdelay $0x3  }
0x34: {  	[smem:$0x3FB8] =	sst s10  }
0x35: {  	s10 =	sld [smem:$0x3FB7];
	_ =	sdelay $0x3  }
0x36: {  	p1 =	seq.s32 s10, $0x1;
	s10 =	sld [smem:$0x3FB8];
	_ =	sdelay $0x3  }
0x37: {  	[smem:$0x3FB8] =	sst s10  }
0x38: {  	s10 =	sld [smem:$0x3FB9]  }
0x39: {  	_ = 	snop;
	(pc) =	sbr.ind lr, $3  }
0x3a: {  	_ = 	snop  }
0x3b: {  	_ = 	snop  }
0x3c: {  	p2 =	seq.s32 s10, $0x1;
	s10 =	sld [smem:$0x3FB8]  }
0x3d: {  	_ =	shalt  }
0x3e: {  	_ =	shalt  }
0x3f: {  	_ =	shalt  }
0x40: {  	_ =	shalt  }
0x41: {  	_ =	shalt  }
0x42: {  	_ =	shalt  }
0x43: {  	_ =	shalt  }
0x44: {  	_ =	shalt  }
0x45: {  	_ =	shalt  }
0x46: {  	_ =	shalt  }
0x47: {  	_ =	shalt  }
0x48: {  	_ =	shalt  }
0x49: {  	_ =	shalt  }
0x4a: {  	_ =	shalt  }
0x4b: {  	_ =	shalt  }
0x4c: {  	_ =	shalt  }
0x4d: {  	_ =	shalt  }
0x4e: {  	_ =	shalt  }
0x4f: {  	_ =	shalt  }
0x50: {  	_ =	shalt  }
0x51: {  	_ =	shalt  }
0x52: {  	_ =	shalt  }
0x53: {  	_ =	shalt  }
0x54: {  	_ =	shalt  }
0x55: {  	_ =	shalt  }
0x56: {  	_ =	shalt  }
0x57: {  	_ =	shalt  }
0x58: {  	_ =	shalt  }
0x59: {  	_ =	shalt  }
0x5a: {  	_ =	shalt  }
0x5b: {  	_ =	shalt  }
0x5c: {  	_ =	shalt  }
0x5d: {  	_ =	shalt  }
0x5e: {  	_ =	shalt  }
0x5f: {  	_ =	shalt  }
0x60: {  	_ =	shalt  }
0x61: {  	_ =	shalt  }
0x62: {  	_ =	shalt  }
0x63: {  	_ =	shalt  }
0x64: {  	_ =	shalt  }
0x65: {  	_ =	shalt  }
0x66: {  	_ =	shalt  }
0x67: {  	_ =	shalt  }
0x68: {  	_ =	shalt  }
0x69: {  	_ =	shalt  }
0x6a: {  	_ =	shalt  }
0x6b: {  	_ =	shalt  }
0x6c: {  	_ =	shalt  }
0x6d: {  	_ =	shalt  }
0x6e: {  	_ =	shalt  }
0x6f: {  	_ =	shalt  }
0x70: {  	_ =	shalt  }
0x71: {  	_ =	shalt  }
0x72: {  	_ =	shalt  }
0x73: {  	_ =	shalt  }
0x74: {  	_ =	shalt  }
0x75: {  	_ =	shalt  }
0x76: {  	_ =	shalt  }
0x77: {  	_ =	shalt  }
0x78: {  	_ =	shalt  }
0x79: {  	_ =	shalt  }
0x7a: {  	_ =	shalt  }
0x7b: {  	_ =	shalt  }
0x7c: {  	_ =	shalt  }
0x7d: {  	_ =	shalt  }
0x7e: {  	_ =	shalt  }
0x7f: {  	_ =	shalt  }
0x80: {  	_ =	shalt  }
0x81: {  	_ =	shalt  }
0x82: {  	_ =	shalt  }
0x83: {  	_ =	shalt  }
0x84: {  	_ =	shalt  }
0x85: {  	_ =	shalt  }
0x86: {  	_ =	shalt  }
0x87: {  	_ =	shalt  }
.Lfunc_end0:
.L_simem_size_0:
called_computation_lowered:
.L_overlay_start_0:
0x88: {  	s2 =	sld [smem:$0x3FD9]  }
0x89: {  	s3 =	sld [smem:$0x3FFE];
	_ =	sdelay $0x1  }
0x8a: {  	s1 =	srdreg.scid  }
0x8b: {  	s0 =	sand.u32 $0x1, s1  }
0x8c: {  	s15 =	sshll.u32 s0, $0xA;
	s2 =	sadd.s32 s3, s2  }
0x8d: {  	s2 =	sadd.s32 s2, s15  }
0x8e: {  	[smem:$0x3FC4] =	sst s2  }
0x8f: {  	_ = 	snop  }
0x90: {  	s2 =	sld [smem:$0x3FC9]  }
0x91: {  	s16 =	sld [smem:$0x3FD0]  }
0x92: {  	s4 =	sld [smem:$0x3FC8]  }
0x93: {  	s5 =	sld [smem:$0x3FC7]  }
0x94: {  	s7 =	simm.s32 $0xA;
	s8 =	simm.s32 $0x10;
	s6 =	sld [smem:$0x3FC6]  }
0x95: {  	[smem:s8], [sflag:s7] =	dma.local [hbm:s16], $0x1  }
0x96: {  	_ =	swait.eq [sflag:s7], $0x1  }
0x97: {  	[sflag:s7] =	ssyncset.done $0x0  }
0x98: {  	s17 =	sld [smem:$0x10];
	[sflag:s7] =	ssyncadd.s32 $0xFFFFFFFF  }
0x99: {  	s18 =	sld [smem:$0x11];
	(tm) =	ssettm $0x1  }
0x9a: {  	s19 =	sld [smem:$0x3FFB];
	_ =	sdelay $0x3  }
0x9b: {  	_ =	strace s19  }
0x9c: {  	s8 =	sld [smem:$0x3FFC];
	_ =	sdelay $0x3  }
0x9d: {  	_ =	strace s8  }
0x9e: {  	s8 =	sld [smem:$0x3FFD];
	_ =	sdelay $0x3  }
0x9f: {  	_ =	strace s8  }
0xa0: {  	_ =	strace $0x8FFFFFFF  }
0xa1: {  	s20 =	sld [smem:$0x3FDB];
	_ =	sdelay $0x1  }
0xa2: {  	s9 =	simm.s32 $_scs_section_size  }
0xa3: {  	s10 =	simm.s32 $_size__tile_overlayer_lowered;
	s11 =	simm.s32 $_tile_overlayer_lowered  }
0xa4: {  	s23 =	simm.s32 $0x1BFF;
	s22 =	sshll.u32 s11, $0x1;
	s8 =	sadd.s32 s9, s20  }
0xa5: {  	s12 =	simm.s32 $0x0;
	s21 =	sshll.u32 s10, $0x1;
	s10 =	sadd.s32 s22, s8  }
0xa6: {  	[timem:s12], [sflag:s23] =	dma.local [hbm:s10], s21  }
0xa7: {  	_ =	swait.ge [sflag:s23], s21  }
0xa8: {  	s9 =	ssub.s32 $0x0, s21;
	[sflag:s23] =	ssyncset.done $0x0  }
0xa9: {  	[sflag:s23] =	ssyncadd.s32 s9;
	_ =	sdelay $0x1  }
0xaa: {  	s24 =	simm.s32 $0x1B8B  }
0xab: {  	_ =	swait.ge [sflag:s24], $0x1  }
0xac: {  	[sflag:s24] =	ssyncset.done $0x0  }
0xad: {  	s25 =	simm.s32 $0x1B8E;
	[sflag:s24] =	ssyncadd.s32 $0xFFFFFFFF  }
0xae: {  	s26 =	simm.s32 $execute0_lowered;
	[smem:$0x3FD2] =	sst s25  }
0xaf: {  	s9 =	sshll.u32 s26, $0x1;
	_ =	strace $0x80000046;
	[dreg:$0x1] =	wrdreg $0xFFFFFFFF  }
0xb0: {  	s28 =	simm.s32 $_size_execute0_lowered;
	s8 =	sadd.s32 s8, s9;
	[dreg:$0x0] =	wrdreg $0x0  }
0xb1: {  	s9 =	sshll.u32 s28, $0x1;
	[dreg:$0x2] =	wrdreg s8  }
0xb2: {  	[dreg:$0x3] =	wrdreg s9  }
0xb3: {  	[dreg:$0x4] =	wrdreg $0xC0  }
0xb4: {  	_ =	task [dreg:s12], $0x5FFFF  }
0xb5: {  	[dreg:$0x1] =	wrdreg $0xFFFFFFFF  }
0xb6: {  	[dreg:$0x0] =	wrdreg $0x60  }
0xb7: {  	[dreg:$0x2] =	wrdreg s2  }
0xb8: {  	[dreg:$0x3] =	wrdreg s4  }
0xb9: {  	[dreg:$0x4] =	wrdreg s5  }
0xba: {  	[dreg:$0x5] =	wrdreg s6  }
0xbb: {  	[dreg:$0x6] =	wrdreg s17  }
0xbc: {  	[dreg:$0x7] =	wrdreg s18  }
0xbd: {  	[dreg:$0x8] =	wrdreg $0x9  }
0xbe: {  	_ =	task.clear_ibuf [dreg:s12], $0x9FFFF;
	_ =	strace $0x90000046  }
0xbf: {  	s29 =	simm.s32 $0x9;
	_ =	strace $0x80000048  }
0xc0: {  	_ =	swait.ge [sflag:s29], $0x1  }
0xc1: {  	[sflag:s29] =	ssyncadd.s32 $0xFFFFFFFF  }
0xc2: {  	_ =	strace $0x90000048  }
0xc3: {  	_ =	sfence  }
0xc4: {  	s30 =	sld [smem:$0x0];
	_ =	sdelay $0x2  }
0xc5: {  	s31 =	sshll.u32 s1, $0xD;
	s1 =	sshrl.u32 s1, $0x2  }
0xc6: {  	s3 =	sand.u32 $0x4000, s31;
	s1 =	sadd.s32 s1, s30  }
0xc7: {  	s0 =	sor.u32 s3, s0;
	s1 =	sshll.u32 s1, $0x11  }
0xc8: {  	s0 =	sor.u32 s1, s0  }
0xc9: {  	s0 =	sadd.s32 $0x8F2B, s0  }
0xca: {  	[sflag:s0] =	ssyncadd.remote.s32 $0x1  }
0xcb: {  	_ =	sfence.sel $0xFFFF  }
0xcc: {  	[dreg:$0x0] =	wrdreg $0xFFFFFFFF;
	(pc) =	sbr.abs _section_cstart, $3  }
0xcd: {  	[dreg:$0x1] =	wrdreg $0xFFFFFFFF  }
0xce: {  	_ =	task.clear_ibuf [dreg:s12], $0x2FFFF;
	_ =	strace $0x9FFFFFFF  }
0xcf: {  	(tm) =	ssettm $0x7FFFFFFF  }
tec
execute0_lowered:
.L_overlay_start_1:
0x0: {  	(tag) =	ssettag $0x1  }
0x1: {  	s1 =	rddreg [dreg:$0x0]  }
0x2: {  	s2 =	rddreg [dreg:$0x1]  }
0x3: {  	s5 =	rddreg [dreg:$0x2]  }
0x4: {  	s6 =	rddreg [dreg:$0x3]  }
0x5: {  	s3 =	srdreg.scid;
	s9 =	rddreg [dreg:$0x4]  }
0x6: {  	s0 =	stileid.u32;
	s10 =	rddreg [dreg:$0x5];
	s4 =	simm.s32 $0x0  }
0x7: {  	s7 =	sand.u32 $0x1, s3;
	s29 =	sshll.u32 s0, $0x1;
	s3 =	rddreg [dreg:$0x6]  }
0x8: {  	s15 =	simm.s32 $0x1;
	[smem:$0x7FF] =	sst s4;
	s17 =	sor.u32 s7, s29  }
0x9: {  	s7 =	ssub.s32 $0x2, s7;
	_ =	strace $0x80000047;
	s13 =	smul.u32 $0x7A20, s17  }
0xa: {  	s8 =	sshrl.u32 s7, $0x1;
	p0 =	seq.s32 s17, $0x1F;
	s17 =	simm.s32 $0x0  }
0xb: {  	s14 =	ssub.s32 s7, s8;
	s11 =	smin.u32 s13, $0xEC820;
	s31 =	sshrl.u32 s13, $0x3  }
.Ltmp0:
0xc: {  	s12 =	ssub.s32 s11, s13;
	s30 =	sshrl.u32 s11, $0x3;
	(pc) =	sbr.rel .LBB2_1-.Ltmp0, $4  }
0xd: {  	s7 =	sadd.s32 s9, s31;
	s8 =	sadd.s32 s10, s31;
	s9 =	sadd.s32 $0x1D93C, s9  }
0xe: {  	v0 =	vmov s13;
	v1 =	vmov s11;
	s10 =	sadd.s32 $0x1D93C, s10;
	s11 =	smax.u32 s14, $0x1;
	s13 =	simm.s32 $0x8000  }
0xf: {  	s14 =	simm.s32 $0xFA80;
	s16 =	sadd.s32 $0x7A20, s12;
	s5 =	sadd.s32 s5, s30;
	v2 =	vsub.s32 $0x0, v1  }
0x10: {  	v3 =	vlaneseq.u32;
	s6 =	sadd.s32 s6, s30;
	s12 =	simm.s32 $0x4000;
	v1 =	vmov s16;
	v2 =	vbroadcast v2, $0x0;
	s16 =	simm.s32 $0x2  }
.LBB2_19:
0x11: {  	s18 =	simm.s32 $0x0;
	s21 =	simm.s32 $0x1B580  }
.LBB2_23:
0x12: {  	s18 =	sadd.s32 @p1 $0x10, s18  }
0x13: {  	s20 =	smov.u32 @p1 s18  }
0x14: {  	s18 =	sadd.s32 @p1 $0x10, s21;
	v6 =	vor.u32 s20, v3  }
0x15: {  	s19 =	smov.u32 @p1 s18;
	vm0 =	vlt.s32 v6, v4  }
0x16: {  	v63 =	vand.u32 $0x7FFF, v5;
	v4 =	vld [tilespmem:s19+$0x0];
	_ =	sdelay $0x2  }
0x17: {  	v5 =	vshrl.u32 v5, $0xF  }
0x18: {  	v5 =	vcvt.s32.f32 v5  }
0x19: {  	[tilespmem:v63+s13+$0x0] =	vst.idx.msk vm0, v4  }
0x1a: {  	[tilespmem:v63+s14+$0x0] =	vst.idx.msk vm0, v5  }
.LBB2_24:
0x1b: {  	s18 =	simm.s32 @p0 $0x0;
	s19 =	simm.s32 @p0 $0x81C0  }
0x1c: {  	[hbm4b:s9+s18] =	stream.linear.scatter @p0 [tilespmem:s19], [sflag:$0x1], $0x7860, $0x38;
	[tilespmem:$0x1F600] =	vst v63  }
0x1d: {  	s19 =	simm.s32 @p0 $0xFC40  }
0x1e: {  	[hbm4b:s10+s18] =	stream.linear.scatter @p0 [tilespmem:s19], [sflag:$0x2], $0x7860, $0x38;
	[tilespmem:$0x1F600] =	vst v63  }
0x1f: {  	s18 =	simm.s32 @p0 $0x1  }
0x20: {  	_ =	swait.ge @p0 [sflag:s18], $0x7860  }
0x21: {  	[sflag:s18] =	ssyncset.done @p0 $0x0  }
0x22: {  	[sflag:s18] =	ssyncadd.s32 @p0 $0xFFFF87A0;
	s18 =	simm.s32 @p0 $0x2  }
0x23: {  	_ =	swait.ge @p0 [sflag:s18], $0x7860  }
0x24: {  	[sflag:s18] =	ssyncset.done @p0 $0x0  }
0x25: {  	s19 =	simm.s32 @!p0 $0x8000;
	[sflag:s18] =	ssyncadd.s32 @p0 $0xFFFF87A0;
	s18 =	simm.s32 @!p0 $0x0  }
0x26: {  	[hbm4b:s7+s18] =	stream.linear.scatter @!p0 [tilespmem:s19], [sflag:$0x1], $0x7A20, $0x38;
	[tilespmem:$0x1F600] =	vst v63  }
0x27: {  	s19 =	simm.s32 @!p0 $0xFA80  }
0x28: {  	[hbm4b:s8+s18] =	stream.linear.scatter @!p0 [tilespmem:s19], [sflag:$0x2], $0x7A20, $0x38;
	[tilespmem:$0x1F600] =	vst v63  }
0x29: {  	s17 =	sadd.s32 $0x1, s17;
	s18 =	simm.s32 @!p0 $0x1  }
0x2a: {  	p1 =	sne.s32 s17, s11;
	_ =	swait.ge @!p0 [sflag:s18], $0x7A20  }
.Ltmp1:
0x2b: {  	[sflag:s18] =	ssyncset.done @!p0 $0x0;
	(pc) =	sbr.rel @!p1 .LBB2_25-.Ltmp1, $4  }
0x2c: {  	[sflag:s18] =	ssyncadd.s32 @!p0 $0xFFFF85E0;
	s18 =	simm.s32 @!p0 $0x2  }
0x2d: {  	_ =	swait.ge @!p0 [sflag:s18], $0x7A20  }
0x2e: {  	[sflag:s18] =	ssyncset.done @!p0 $0x0  }
0x2f: {  	[sflag:s18] =	ssyncadd.s32 @!p0 $0xFFFF85E0  }
.LBB2_1:
0x30: {  	[tilespmem:s4], [sflag:$0x1] =	stream.linear.gather [hbm4b:s1+s4], $0x4000, $0x38;
	[tilespmem:$0x1F600] =	vst v63  }
0x31: {  	_ = 	snop  }
0x32: {  	[tilespmem:s12], [sflag:$0x1] =	stream.linear.gather [hbm4b:s2+s4], $0x4000, $0x38;
	[tilespmem:$0x1F600] =	vst v63  }
0x33: {  	_ = 	snop  }
0x34: {  	[tilespmem:s13], [sflag:$0x2] =	stream.linear.gather [hbm4b:s5+s4], $0x7A20, $0x38;
	[tilespmem:$0x1F600] =	vst v63  }
0x35: {  	_ = 	snop  }
0x36: {  	[tilespmem:s14], [sflag:$0x2] =	stream.linear.gather [hbm4b:s6+s4], $0x7A20, $0x38;
	[tilespmem:$0x1F600] =	vst v63  }
0x37: {  	_ =	swait.ge [sflag:s15], $0x4000  }
0x38: {  	[sflag:s15] =	ssyncset.done $0x0  }
0x39: {  	[sflag:s15] =	ssyncadd.s32 $0xFFFFC000  }
0x3a: {  	_ =	swait.ge [sflag:s15], $0x4000  }
0x3b: {  	[sflag:s15] =	ssyncset.done $0x0  }
0x3c: {  	s19 =	simm.s32 $0x4080;
	[sflag:s15] =	ssyncadd.s32 $0xFFFFC000  }
0x3d: {  	v4 =	vld [tilespmem:s19+$0xFFFFFF80]  }
0x3e: {  	v5 =	vld [tilespmem:s19+$0xFFFFFF90]  }
0x3f: {  	v6 =	vld [tilespmem:s19+$0xFFFFFFA0]  }
0x40: {  	v7 =	vld [tilespmem:s19+$0xFFFFFFB0]  }
0x41: {  	v8 =	vld [tilespmem:s19+$0xFFFFFFC0]  }
0x42: {  	v9 =	vld [tilespmem:s19+$0xFFFFFFD0]  }
0x43: {  	v11 =	vld [tilespmem:s19+$0xFFFFFFE0]  }
0x44: {  	v17 =	vld [tilespmem:s19+$0x0]  }
0x45: {  	v21 =	vld [tilespmem:s19+$0x20]  }
0x46: {  	v20 =	vld [tilespmem:s19+$0x30]  }
0x47: {  	v22 =	vld [tilespmem:s19+$0x50]  }
0x48: {  	v23 =	vld [tilespmem:s19+$0x60]  }
0x49: {  	s18 =	simm.s32 $0x80;
	v24 =	vld [tilespmem:s19+$0x70]  }
0x4a: {  	v27 =	vld [tilespmem:s18+$0x70]  }
0x4b: {  	v28 =	vld [tilespmem:s18+$0x60]  }
0x4c: {  	v29 =	vld [tilespmem:s18+$0x50]  }
0x4d: {  	v33 =	vld [tilespmem:s18+$0x40]  }
0x4e: {  	v37 =	vld [tilespmem:s18+$0x10]  }
0x4f: {  	v35 =	vld [tilespmem:s18+$0x0];
	v16 =	vshll.u32 v4, $0xF;
	v4 =	vshll.u32 v5, $0xF;
	v14 =	vshll.u32 v6, $0xF  }
0x50: {  	v25 =	vld [tilespmem:s18+$0xFFFFFF80];
	v15 =	vshll.u32 v7, $0xF;
	v13 =	vshll.u32 v8, $0xF;
	v10 =	vshll.u32 v9, $0xF  }
0x51: {  	v19 =	vld [tilespmem:s19+$0x40];
	v11 =	vshll.u32 v11, $0xF;
	v5 =	vshll.u32 v24, $0xF;
	v6 =	vadd.s32 v2, v27  }
0x52: {  	v32 =	vld [tilespmem:s18+$0x30];
	v7 =	vshll.u32 v23, $0xF;
	v8 =	vadd.s32 v2, v28;
	v9 =	vshll.u32 v22, $0xF  }
0x53: {  	v34 =	vld [tilespmem:s18+$0x20];
	v22 =	vadd.s32 v2, v29;
	v23 =	vadd.s32 v2, v33;
	v21 =	vshll.u32 v21, $0xF  }
0x54: {  	v12 =	vld [tilespmem:s19+$0x10];
	v26 =	vadd.s32 v2, v37;
	v30 =	vshll.u32 v17, $0xF;
	v31 =	vadd.s32 v2, v35  }
0x55: {  	v18 =	vld [tilespmem:s19+$0xFFFFFFF0];
	v33 =	vsub.s32 v33, v0;
	v35 =	vsub.s32 v35, v0;
	v39 =	vsub.s32 v25, v0  }
0x56: {  	v36 =	vld [tilespmem:s18+$0xFFFFFFF0];
	v6 =	vadd.s32 v5, v6;
	v5 =	vadd.s32 v7, v8;
	v8 =	vshll.u32 v19, $0xF  }
0x57: {  	v24 =	vld [tilespmem:s18+$0xFFFFFFC0];
	v7 =	vadd.s32 v9, v22;
	v9 =	vshll.u32 v20, $0xF;
	v22 =	vadd.s32 v2, v32  }
0x58: {  	v20 =	vld [tilespmem:s18+$0xFFFFFFD0];
	v32 =	vsub.s32 v32, v0;
	v8 =	vadd.s32 v8, v23;
	v23 =	vadd.s32 v2, v34  }
0x59: {  	v9 =	vadd.s32 v9, v22;
	v22 =	vshll.u32 v12, $0xF;
	v12 =	vadd.s32 v21, v23;
	v23 =	vld [tilespmem:s18+$0xFFFFFF90]  }
0x5a: {  	vm2 =	vlt.u32 v39, v1;
	v17 =	vadd.s32 v22, v26;
	v21 =	vshll.u32 v18, $0xF;
	v26 =	vld [tilespmem:s18+$0xFFFFFFA0]  }
0x5b: {  	v18 =	vadd.s32 v30, v31;
	v30 =	vsub.s32 v28, v0;
	v28 =	vsub.s32 v27, v0;
	v27 =	vld [tilespmem:s18+$0xFFFFFFB0]  }
0x5c: {  	v19 =	vld [tilespmem:s18+$0xFFFFFFE0];
	v42 =	vmpcnt.ones.xlane vm2;
	v22 =	vadd.s32 v2, v36;
	v31 =	vsub.s32 v29, v0  }
0x5d: {  	v29 =	vsub.s32 v34, v0;
	v36 =	vsub.s32 v36, v0;
	v34 =	vsub.s32 v37, v0  }
0x5e: {  	(v2sf) =	vpush v42, $0x0;
	v39 =	vsub.s32 v24, v0;
	v40 =	vsub.s32 v23, v0  }
0x5f: {  	v38 =	vsub.s32 v20, v0;
	v41 =	vsub.s32 v26, v0;
	vm0 =	vlt.u32 v40, v1  }
0x60: {  	v43 =	vsub.s32 v27, v0;
	vm3 =	vlt.u32 v41, v1;
	v40 =	vmpcnt.ones.xlane vm0  }
0x61: {  	s20 =	simm.s32 $0x4180;
	s21 =	simm.s32 $0x0;
	s19 =	simm.s32 $0x0;
	v37 =	vsub.s32 v19, v0;
	vm1 =	vlt.u32 v43, v1;
	v41 =	vmpcnt.ones.xlane vm3  }
.LBB2_2:
0x62: {  	v42 =	vld [tilespmem:s20+$0xFFFFFF80];
	v43 =	vmpcnt.ones.xlane vm1;
	vm15 =	vlt.u32 v39, v1;
	(v2sf) =	vpush v40, $0x0  }
0x63: {  	vm14 =	vlt.u32 v38, v1;
	v39 =	vld [tilespmem:s20+$0xFFFFFF90];
	v40 =	vmpcnt.ones.xlane vm15;
	(v2sf) =	vpush v41, $0x0  }
0x64: {  	vm13 =	vlt.u32 v37, v1;
	v41 =	vmpcnt.ones.xlane vm14;
	v38 =	vld [tilespmem:s20+$0xFFFFFFA0];
	(v2sf) =	vpush v43, $0x0  }
0x65: {  	vm12 =	vlt.u32 v36, v1;
	v43 =	vmpcnt.ones.xlane vm13;
	v37 =	vld [tilespmem:s20+$0xFFFFFFB0];
	(v2sf) =	vpush v40, $0x0  }
0x66: {  	vm11 =	vlt.u32 v35, v1;
	v40 =	vmpcnt.ones.xlane vm12;
	v36 =	vld [tilespmem:s20+$0xFFFFFFC0];
	(v2sf) =	vpush v41, $0x0  }
0x67: {  	vm10 =	vlt.u32 v34, v1;
	v41 =	vmpcnt.ones.xlane vm11;
	v35 =	vld [tilespmem:s20+$0xFFFFFFD0];
	(v2sf) =	vpush v43, $0x0  }
0x68: {  	vm9 =	vlt.u32 v29, v1;
	v43 =	vmpcnt.ones.xlane vm10;
	v34 =	vld [tilespmem:s20+$0xFFFFFFE0];
	(v2sf) =	vpush v40, $0x0  }
0x69: {  	vm8 =	vlt.u32 v32, v1;
	v40 =	vmpcnt.ones.xlane vm9;
	v29 =	vld [tilespmem:s20+$0xFFFFFFF0];
	(v2sf) =	vpush v41, $0x0  }
0x6a: {  	vm7 =	vlt.u32 v33, v1;
	v41 =	vmpcnt.ones.xlane vm8;
	v32 =	vld [tilespmem:s20+$0x0];
	(v2sf) =	vpush v43, $0x0  }
0x6b: {  	vm6 =	vlt.u32 v31, v1;
	v43 =	vmpcnt.ones.xlane vm7;
	v33 =	vld [tilespmem:s20+$0x10];
	(v2sf) =	vpush v40, $0x0  }
0x6c: {  	vm5 =	vlt.u32 v30, v1;
	v40 =	vmpcnt.ones.xlane vm6;
	v31 =	vld [tilespmem:s20+$0x20];
	(v2sf) =	vpush v41, $0x0  }
0x6d: {  	vm4 =	vlt.u32 v28, v1;
	v41 =	vmpcnt.ones.xlane vm5;
	v30 =	vld [tilespmem:s20+$0x30];
	(v2sf) =	vpush v43, $0x0  }
0x6e: {  	v25 =	vadd.s32 v2, v25;
	v43 =	vmpcnt.ones.xlane vm4;
	v28 =	vld [tilespmem:s20+$0x40];
	(v2sf) =	vpush v40, $0x0  }
0x6f: {  	v23 =	vadd.s32 v2, v23;
	v26 =	vadd.s32 v2, v26;
	v40 =	vld [tilespmem:s20+$0x50];
	(v2sf) =	vpush v41, $0x0  }
0x70: {  	v27 =	vadd.s32 v2, v27;
	v24 =	vadd.s32 v2, v24;
	v41 =	vld [tilespmem:s20+$0x60];
	s22 =	spop (v2sf);
	(v2sf) =	vpush v43, $0x0  }
0x71: {  	v20 =	vadd.s32 v2, v20;
	v19 =	vadd.s32 v2, v19;
	s18 =	sadd.s32 $0x100, s18;
	v16 =	vadd.s32 v16, v25;
	v43 =	vld [tilespmem:s20+$0x70];
	s22 =	sadd.s32 s21, s22;
	s23 =	spop (v2sf)  }
0x72: {  	v45 =	vadd.s32 v4, v23;
	v4 =	vadd.s32 v14, v26;
	v14 =	vadd.s32 v15, v27;
	v44 =	vld [tilespmem:s18+$0x70];
	[tilespmem:s21+$0x17500] =	vst.msk vm2, v16;
	s21 =	sadd.s32 s22, s23;
	s23 =	spop (v2sf)  }
0x73: {  	v13 =	vadd.s32 v13, v24;
	v20 =	vadd.s32 v10, v20;
	v19 =	vadd.s32 v11, v19;
	v27 =	vld [tilespmem:s18+$0x60];
	[tilespmem:s21+$0x17500] =	vst.msk vm3, v4;
	s21 =	sadd.s32 s21, s23;
	s23 =	spop (v2sf)  }
0x74: {  	v21 =	vadd.s32 v21, v22;
	v46 =	vld [tilespmem:s18+$0x50];
	[tilespmem:s21+$0x17500] =	vst.msk vm1, v14;
	s21 =	sadd.s32 s21, s23;
	s23 =	spop (v2sf)  }
0x75: {  	v16 =	vshll.u32 v42, $0xF;
	v4 =	vshll.u32 v39, $0xF;
	v14 =	vshll.u32 v38, $0xF;
	v38 =	vld [tilespmem:s18+$0x40];
	[tilespmem:s21+$0x17500] =	vst.msk vm15, v13;
	s21 =	sadd.s32 s21, s23;
	s23 =	spop (v2sf)  }
0x76: {  	v15 =	vshll.u32 v37, $0xF;
	v10 =	vshll.u32 v35, $0xF;
	v13 =	vshll.u32 v36, $0xF;
	v35 =	vld [tilespmem:s18+$0x30];
	[tilespmem:s21+$0x17500] =	vst.msk vm14, v20;
	s21 =	sadd.s32 s21, s23;
	s23 =	spop (v2sf)  }
0x77: {  	v11 =	vshll.u32 v34, $0xF;
	v20 =	vshll.u32 v43, $0xF;
	v34 =	vld [tilespmem:s18+$0x20];
	v22 =	vadd.s32 v2, v44;
	[tilespmem:s21+$0x17500] =	vst.msk vm13, v19;
	s21 =	sadd.s32 s21, s23;
	s23 =	spop (v2sf)  }
0x78: {  	v19 =	vshll.u32 v41, $0xF;
	v37 =	vld [tilespmem:s18+$0x10];
	v23 =	vadd.s32 v2, v27;
	v39 =	vadd.s32 v20, v22;
	[tilespmem:s21+$0x17500] =	vst.msk vm12, v21;
	s21 =	sadd.s32 s21, s23;
	s23 =	spop (v2sf)  }
0x79: {  	v20 =	vshll.u32 v40, $0xF;
	v41 =	vld [tilespmem:s18+$0x0];
	v21 =	vadd.s32 v2, v46;
	v26 =	vadd.s32 v19, v23;
	[tilespmem:s21+$0x17500] =	vst.msk vm11, v18;
	s21 =	sadd.s32 s21, s23;
	s23 =	spop (v2sf)  }
0x7a: {  	v18 =	vshll.u32 v28, $0xF;
	v36 =	vld [tilespmem:s18+$0xFFFFFFF0];
	v22 =	vadd.s32 v2, v38;
	v21 =	vadd.s32 v20, v21;
	[tilespmem:s21+$0x17500] =	vst.msk vm10, v17;
	s21 =	sadd.s32 s21, s23;
	s23 =	spop (v2sf)  }
0x7b: {  	v17 =	vshll.u32 v30, $0xF;
	v19 =	vld [tilespmem:s18+$0xFFFFFFE0];
	v23 =	vadd.s32 v2, v35;
	v18 =	vadd.s32 v18, v22;
	[tilespmem:s21+$0x17500] =	vst.msk vm9, v12;
	s21 =	sadd.s32 s21, s23;
	s23 =	spop (v2sf)  }
0x7c: {  	v12 =	vshll.u32 v31, $0xF;
	v20 =	vld [tilespmem:s18+$0xFFFFFFD0];
	v22 =	vadd.s32 v2, v34;
	[tilespmem:s21+$0x17500] =	vst.msk vm8, v9;
	v9 =	vadd.s32 v17, v23;
	s21 =	sadd.s32 s21, s23;
	s23 =	spop (v2sf)  }
0x7d: {  	v17 =	vshll.u32 v33, $0xF;
	v24 =	vld [tilespmem:s18+$0xFFFFFFC0];
	v23 =	vadd.s32 v2, v37;
	v12 =	vadd.s32 v12, v22;
	[tilespmem:s21+$0x17500] =	vst.msk vm7, v8;
	s21 =	sadd.s32 s21, s23;
	s23 =	spop (v2sf);
	v8 =	vmovc v18  }
0x7e: {  	s19 =	sadd.s32 $0x10, s19;
	v18 =	vshll.u32 v32, $0xF;
	v25 =	vld [tilespmem:s18+$0xFFFFFF80];
	v28 =	vadd.s32 v2, v41;
	v17 =	vadd.s32 v17, v23;
	[tilespmem:s21+$0x17500] =	vst.msk vm6, v7;
	s21 =	sadd.s32 s21, s23;
	s23 =	spop (v2sf);
	v7 =	vmovc v21  }
0x7f: {  	p1 =	slt.u32 s19, $0x3F0;
	v21 =	vshll.u32 v29, $0xF;
	v23 =	vld [tilespmem:s18+$0xFFFFFF90];
	v22 =	vadd.s32 v2, v36;
	v18 =	vadd.s32 v18, v28;
	[tilespmem:s21+$0x17500] =	vst.msk vm5, v5;
	s21 =	sadd.s32 s21, s23;
	s23 =	spop (v2sf);
	v5 =	vmovc v26  }
0x80: {  	v30 =	vsub.s32 v27, v0;
	v31 =	vsub.s32 v46, v0;
	v28 =	vsub.s32 v44, v0;
	v26 =	vld [tilespmem:s18+$0xFFFFFFA0];
	[tilespmem:s21+$0x17500] =	vst.msk vm4, v6;
	s21 =	sadd.s32 s21, s23  }
0x81: {  	v33 =	vsub.s32 v38, v0;
	v32 =	vsub.s32 v35, v0;
	v29 =	vsub.s32 v34, v0;
	v27 =	vld [tilespmem:s18+$0xFFFFFFB0];
	[tilespmem:s22+$0x17500] =	vst.msk vm0, v45  }
0x82: {  	v35 =	vsub.s32 v41, v0;
	v34 =	vsub.s32 v37, v0;
	v36 =	vsub.s32 v36, v0;
	v6 =	vmovc v39  }
.Ltmp2:
0x83: {  	v37 =	vsub.s32 v19, v0;
	v38 =	vsub.s32 v20, v0;
	v39 =	vsub.s32 v25, v0;
	(pc) =	sbr.rel @p1 .LBB2_2-.Ltmp2, $4  }
0x84: {  	vm2 =	vlt.u32 v39, v1;
	v40 =	vsub.s32 v23, v0;
	v39 =	vsub.s32 v24, v0  }
0x85: {  	v42 =	vmpcnt.ones.xlane vm2;
	vm0 =	vlt.u32 v40, v1;
	v41 =	vsub.s32 v26, v0  }
0x86: {  	v40 =	vmpcnt.ones.xlane vm0;
	vm3 =	vlt.u32 v41, v1;
	v43 =	vsub.s32 v27, v0  }
0x87: {  	s20 =	sadd.s32 $0x100, s20;
	v41 =	vmpcnt.ones.xlane vm3;
	vm1 =	vlt.u32 v43, v1;
	(v2sf) =	vpush v42, $0x0  }
0x88: {  	v42 =	vmpcnt.ones.xlane vm1;
	vm12 =	vlt.u32 v39, v1;
	(v2sf) =	vpush v40, $0x0  }
0x89: {  	vm9 =	vlt.u32 v38, v1;
	v39 =	vmpcnt.ones.xlane vm12;
	(v2sf) =	vpush v41, $0x0  }
0x8a: {  	vm4 =	vlt.u32 v37, v1;
	v38 =	vmpcnt.ones.xlane vm9;
	(v2sf) =	vpush v42, $0x0  }
0x8b: {  	vm5 =	vlt.u32 v36, v1;
	v37 =	vmpcnt.ones.xlane vm4;
	(v2sf) =	vpush v39, $0x0  }
0x8c: {  	vm6 =	vlt.u32 v35, v1;
	v36 =	vmpcnt.ones.xlane vm5;
	(v2sf) =	vpush v38, $0x0  }
0x8d: {  	vm7 =	vlt.u32 v34, v1;
	v35 =	vmpcnt.ones.xlane vm6;
	(v2sf) =	vpush v37, $0x0  }
0x8e: {  	vm8 =	vlt.u32 v29, v1;
	v34 =	vmpcnt.ones.xlane vm7;
	(v2sf) =	vpush v36, $0x0  }
0x8f: {  	vm10 =	vlt.u32 v32, v1;
	v29 =	vmpcnt.ones.xlane vm8;
	(v2sf) =	vpush v35, $0x0  }
0x90: {  	vm13 =	vlt.u32 v33, v1;
	v32 =	vmpcnt.ones.xlane vm10;
	(v2sf) =	vpush v34, $0x0  }
0x91: {  	vm15 =	vlt.u32 v31, v1;
	v33 =	vmpcnt.ones.xlane vm13;
	(v2sf) =	vpush v29, $0x0  }
0x92: {  	vm14 =	vlt.u32 v30, v1;
	v58 =	vmpcnt.ones.xlane vm15;
	(v2sf) =	vpush v32, $0x0  }
0x93: {  	vm11 =	vlt.u32 v28, v1;
	v30 =	vmpcnt.ones.xlane vm14;
	(v2sf) =	vpush v33, $0x0  }
0x94: {  	v28 =	vmpcnt.ones.xlane vm11;
	(v2sf) =	vpush v58, $0x0  }
0x95: {  	(v2sf) =	vpush v30, $0x0  }
0x96: {  	s18 =	spop (v2sf);
	(v2sf) =	vpush v28, $0x0  }
0x97: {  	s18 =	sadd.s32 s21, s18;
	s19 =	spop (v2sf)  }
0x98: {  	s19 =	sadd.s32 s18, s19;
	s20 =	spop (v2sf)  }
0x99: {  	s20 =	sadd.s32 s19, s20;
	s22 =	spop (v2sf)  }
0x9a: {  	s22 =	sadd.s32 s20, s22;
	s23 =	spop (v2sf)  }
0x9b: {  	v25 =	vadd.s32 v2, v25;
	s23 =	sadd.s32 s22, s23;
	s24 =	spop (v2sf)  }
0x9c: {  	v26 =	vadd.s32 v2, v26;
	v16 =	vadd.s32 v16, v25;
	s24 =	sadd.s32 s23, s24;
	s25 =	spop (v2sf)  }
0x9d: {  	v59 =	vadd.s32 v2, v27;
	v14 =	vadd.s32 v14, v26;
	[tilespmem:s21+$0x17500] =	vst.msk vm2, v16;
	s21 =	sadd.s32 s24, s25;
	s31 =	spop (v2sf)  }
0x9e: {  	v60 =	vadd.s32 v2, v24;
	v15 =	vadd.s32 v15, v59;
	[tilespmem:s19+$0x17500] =	vst.msk vm3, v14;
	s19 =	sadd.s32 s21, s31;
	s26 =	spop (v2sf)  }
0x9f: {  	v61 =	vadd.s32 v2, v20;
	v13 =	vadd.s32 v13, v60;
	[tilespmem:s20+$0x17500] =	vst.msk vm1, v15;
	s20 =	sadd.s32 s19, s26;
	s28 =	spop (v2sf)  }
0xa0: {  	v62 =	vadd.s32 v2, v19;
	v10 =	vadd.s32 v10, v61;
	[tilespmem:s22+$0x17500] =	vst.msk vm12, v13;
	s22 =	sadd.s32 s20, s28;
	s29 =	spop (v2sf)  }
0xa1: {  	v11 =	vadd.s32 v11, v62;
	[tilespmem:s23+$0x17500] =	vst.msk vm9, v10;
	s23 =	sadd.s32 s22, s29;
	s30 =	spop (v2sf)  }
0xa2: {  	v63 =	vadd.s32 v21, v22;
	[tilespmem:s24+$0x17500] =	vst.msk vm4, v11;
	s24 =	sadd.s32 s23, s30;
	s31 =	spop (v2sf)  }
0xa3: {  	[tilespmem:s21+$0x17500] =	vst.msk vm5, v63;
	s21 =	sadd.s32 s24, s31;
	s26 =	spop (v2sf)  }
0xa4: {  	s25 =	sadd.s32 s21, s26;
	s28 =	spop (v2sf)  }
0xa5: {  	s29 =	sadd.s32 s25, s28;
	s30 =	spop (v2sf)  }
0xa6: {  	[tilespmem:s19+$0x17500] =	vst.msk vm6, v18;
	s19 =	sadd.s32 s29, s30  }
0xa7: {  	s31 =	sadd.s32 $0xF, s19  }
0xa8: {  	s26 =	sand.u32 $0xF, s31  }
0xa9: {  	[tilespmem:s21+$0x17500] =	vst.msk vm15, v7;
	s28 =	sshra.s32 s31, $0x1F;
	p2 =	slt.s32 s31, $0x1;
	p1 =	sne.s32 s26, $0x0  }
0xaa: {  	[tilespmem:s25+$0x17500] =	vst.msk vm14, v5;
	s21 =	sshrl.u32 s28, $0x1C;
	p1 =	por !p2, !p1  }
0xab: {  	v5 =	vadd.s32 v2, v23;
	[tilespmem:s29+$0x17500] =	vst.msk vm11, v6;
	s29 =	sadd.s32 s21, s31;
	s21 =	simm.s32 $0x1;
	p1 =	por !p1, !p1  }
0xac: {  	[tilespmem:s20+$0x17500] =	vst.msk vm7, v17;
	v4 =	vadd.s32 v4, v5;
	s30 =	sshra.s32 s29, $0x4;
	s21 =	simm.s32 @!p1 $0x0  }
0xad: {  	[tilespmem:s18+$0x17500] =	vst.msk vm0, v4;
	s18 =	ssub.s32 s30, s21  }
0xae: {  	[tilespmem:s22+$0x17500] =	vst.msk vm8, v12;
	s31 =	sshrl.u32 s18, $0x1F  }
0xaf: {  	[tilespmem:s23+$0x17500] =	vst.msk vm10, v9;
	s20 =	sadd.s32 s31, s18  }
0xb0: {  	[tilespmem:s24+$0x17500] =	vst.msk vm13, v8;
	s20 =	sand.u32 $0xFFFFFFFE, s20  }
0xb1: {  	_ =	swait.ge [sflag:s16], $0x7A20;
	p1 =	slt.s32 s20, $0x1  }
.Ltmp3:
0xb2: {  	[sflag:s16] =	ssyncset.done $0x0;
	(pc) =	sbr.rel @p1 .LBB2_17-.Ltmp3, $4  }
0xb3: {  	[sflag:s16] =	ssyncadd.s32 $0xFFFF85E0  }
0xb4: {  	_ =	swait.ge [sflag:s16], $0x7A20  }
0xb5: {  	[sflag:s16] =	ssyncset.done $0x0  }
0xb6: {  	v4 =	vmov s19;
	[sflag:s16] =	ssyncadd.s32 $0xFFFF85E0  }
0xb7: {  	s23 =	simm.s32 $0x17510  }
0xb8: {  	v8 =	vld [tilespmem:s23+$0x0]  }
0xb9: {  	p5 =	sgt.s32 s20, $0x2;
	v5 =	vld [tilespmem:s23+$0xFFFFFFF0]  }
.Ltmp4:
0xba: {  	_ = 	snop;
	(pc) =	sbr.rel @!p5 .LBB2_5-.Ltmp4, $4  }
0xbb: {  	s22 =	simm.s32 $0x10;
	s31 =	simm.s32 $0x0  }
0xbc: {  	v6 =	vor.u32 s22, v3;
	v9 =	vor.u32 s31, v3  }
0xbd: {  	s21 =	simm.s32 $0x1B590;
	p1 =	por $0x0, $0x0;
	p2 =	por $0x0, $0x0;
	vm2 =	vlt.s32 v6, v4;
	vm0 =	vlt.s32 v9, v4  }
0xbe: {  	p3 =	por $0x0, $0x0;
	p4 =	por $0x0, $0x0;
	s22 =	simm.s32 $0x17530;
	v7 =	vand.u32 $0x7FFF, v8;
	v18 =	vshrl.u32 v5, $0xF;
	v5 =	vand.u32 $0x7FFF, v5  }
0xbf: {  	_ =	sdelay $0x3  }
0xc0: {  	v10 =	vld [tilespmem:s22+$0x0]  }
0xc1: {  	v11 =	vld.idx.msk [tilespmem:v7+s14+$0x0], vm2  }
0xc2: {  	v12 =	vld [tilespmem:s22+$0xFFFFFFF0];
	p5 =	sgt.s32 s20, $0x4  }
.Ltmp5:
0xc3: {  	_ = 	snop;
	(pc) =	sbr.rel @!p5 .LBB2_7-.Ltmp5, $4  }
0xc4: {  	v20 =	vcvt.s32.f32 v18;
	vm1 =	vmmov vm2;
	s31 =	simm.s32 $0x30;
	s23 =	simm.s32 $0x20;
	v8 =	vshrl.u32 v8, $0xF  }
0xc5: {  	v13 =	vld.idx.msk [tilespmem:v5+s14+$0x0], vm0;
	v9 =	vor.u32 s31, v3;
	v14 =	vor.u32 s23, v3;
	v8 =	vcvt.s32.f32 v8  }
0xc6: {  	v6 =	vld.idx.msk [tilespmem:v5+s13+$0x0], vm0;
	vm2 =	vlt.s32 v9, v4;
	vm0 =	vlt.s32 v14, v4;
	v9 =	vand.u32 $0x7FFF, v10  }
0xc7: {  	s22 =	simm.s32 $0x17550;
	p1 =	por $0x1, $0x1;
	v18 =	vshrl.u32 v12, $0xF;
	v5 =	vand.u32 $0x7FFF, v12;
	v21 =	vsub.f32 v8, v11  }
0xc8: {  	_ =	sdelay $0x2  }
0xc9: {  	v8 =	vld [tilespmem:s22+$0x0];
	v12 =	vcvt.s32.f32 v18  }
0xca: {  	vm3 =	vmmov vm1;
	vm1 =	vmmov vm2;
	v17 =	vld [tilespmem:s22+$0xFFFFFFF0];
	v19 =	vshrl.u32 v10, $0xF  }
0xcb: {  	v14 =	vld.idx.msk [tilespmem:v9+s14+$0x0], vm2;
	s31 =	simm.s32 $0x50;
	s23 =	simm.s32 $0x40;
	p5 =	sgt.s32 s20, $0x6;
	vm4 =	vmmov vm3;
	v11 =	vsub.f32 v20, v13;
	v13 =	vmax.f32 v21, $0.0e+00  }
.Ltmp6:
0xcc: {  	v16 =	vor.u32 s31, v3;
	v18 =	vor.u32 s23, v3;
	v15 =	vmul.f32 $-5.129329490e-02, v13;
	(pc) =	sbr.rel @!p5 .LBB2_9-.Ltmp6, $4  }
0xcd: {  	v19 =	vcvt.s32.f32 v19;
	vm2 =	vlt.s32 v16, v4;
	v11 =	vmax.f32 v11, $0.0e+00  }
0xce: {  	v10 =	vld.idx.msk [tilespmem:v5+s13+$0x0], vm0;
	v11 =	vmul.f32 $-5.129329490e-02, v11;
	v15 =	vmul.f32 $1.442695020e+00, v15;
	v16 =	vand.u32 $0x7FFF, v8  }
0xcf: {  	v13 =	vld.idx.msk [tilespmem:v5+s14+$0x0], vm0;
	vm0 =	vlt.s32 v18, v4;
	v18 =	vshrl.u32 v17, $0xF;
	v5 =	vand.u32 $0x7FFF, v17  }
0xd0: {  	s22 =	simm.s32 $0x17570;
	p2 =	por $0x1, $0x1;
	v21 =	vsub.f32 v19, v14;
	(erf) = vpow2.f32 v15;
	v22 =	vmul.f32 $1.442695020e+00, v11  }
0xd1: {  	_ =	sdelay $0x3  }
0xd2: {  	v25 =	vld [tilespmem:s22+$0x0]  }
0xd3: {  	v20 =	vcvt.s32.f32 v18;
	v15 =	vld.idx.msk [tilespmem:v7+s13+$0x0], vm4;
	vm3 =	vmmov vm1;
	vm1 =	vmmov vm2  }
0xd4: {  	v17 =	vld.idx.msk [tilespmem:v16+s14+$0x0], vm2;
	v8 =	vshrl.u32 v8, $0xF;
	v11 =	vsub.f32 v12, v13;
	v12 =	vmax.f32 v21, $0.0e+00  }
0xd5: {  	v19 =	vld [tilespmem:s22+$0xFFFFFFF0];
	s23 =	simm.s32 $0x60;
	p5 =	sgt.s32 s20, $0x8;
	(erf) = vpow2.f32 v22;
	vm3 =	vmmov vm3;
	v7 =	vmul.f32 $-5.129329490e-02, v12  }
.Ltmp7:
0xd6: {  	s31 =	simm.s32 $0x70;
	v8 =	vcvt.s32.f32 v8;
	v21 =	vor.u32 s23, v3;
	v11 =	vmax.f32 v11, $0.0e+00;
	(pc) =	sbr.rel @!p5 .LBB2_11-.Ltmp7, $4  }
0xd7: {  	v13 =	vld.idx.msk [tilespmem:v5+s14+$0x0], vm0;
	v12 =	vor.u32 s31, v3;
	v14 =	vmul.f32 $-5.129329490e-02, v11;
	v18 =	vmul.f32 $1.442695020e+00, v7  }
0xd8: {  	vm2 =	vlt.s32 v12, v4;
	v11 =	vld.idx.msk [tilespmem:v5+s13+$0x0], vm0;
	v7 =	vand.u32 $0x7FFF, v25;
	vm0 =	vlt.s32 v21, v4  }
0xd9: {  	v21 =	vsub.f32 v8, v17;
	(erf) = vpow2.f32 v18;
	v5 =	vpop (erf);
	v14 =	vmul.f32 $1.442695020e+00, v14  }
0xda: {  	s22 =	simm.s32 $0x17590;
	p3 =	por $0x1, $0x1;
	v18 =	vshrl.u32 v19, $0xF;
	v12 =	vmul.f32 v5, v15;
	v5 =	vand.u32 $0x7FFF, v19  }
0xdb: {  	_ =	sdelay $0x3  }
0xdc: {  	v8 =	vld [tilespmem:s22+$0x0];
	v23 =	vcvt.s32.f32 v18;
	(erf) = vpow2.f32 v14;
	v17 =	vmax.f32 v21, $0.0e+00  }
0xdd: {  	vm4 =	vmmov vm1;
	v18 =	vld.idx.msk [tilespmem:v9+s13+$0x0], vm3;
	v13 =	vsub.f32 v20, v13;
	v17 =	vmul.f32 $-5.129329490e-02, v17  }
0xde: {  	vm1 =	vmmov vm2;
	v21 =	vld [tilespmem:s22+$0xFFFFFFF0];
	v27 =	vshrl.u32 v25, $0xF;
	v19 =	vadd.f32 $1.000000000e+00, v12  }
0xdf: {  	s31 =	simm.s32 $0x80;
	p5 =	sgt.s32 s20, $0xA;
	v20 =	vld.idx.msk [tilespmem:v7+s14+$0x0], vm2;
	vm4 =	vmmov vm4;
	v15 =	vpop (erf);
	v13 =	vmax.f32 v13, $0.0e+00;
	v17 =	vmul.f32 $1.442695020e+00, v17  }
.Ltmp8:
0xe0: {  	v25 =	vld.idx.msk [tilespmem:v5+s13+$0x0], vm0;
	v26 =	vor.u32 s31, v3;
	v15 =	vmul.f32 v15, v6;
	v22 =	vmul.f32 $-5.129329490e-02, v13;
	(pc) =	sbr.rel @!p5 .LBB2_13-.Ltmp8, $4  }
0xe1: {  	s23 =	simm.s32 $0x90;
	v27 =	vcvt.s32.f32 v27;
	v13 =	vld.idx.msk [tilespmem:v5+s14+$0x0], vm0;
	vm0 =	vlt.s32 v26, v4;
	(erf) = vpow2.f32 v17  }
0xe2: {  	v24 =	vadd.f32 $1.000000000e+00, v15;
	v15 =	vor.u32 s23, v3;
	v22 =	vmul.f32 $1.442695020e+00, v22;
	v5 =	vpop (erf)  }
0xe3: {  	s24 =	simm.s32 $0xA;
	[tilespmem:s21+$0x0] =	vst v19;
	vm2 =	vlt.s32 v15, v4;
	v15 =	vand.u32 $0x7FFF, v8;
	v19 =	vmul.f32 v5, v18  }
0xe4: {  	s25 =	simm.s32 $0x175B0;
	p4 =	por $0x1, $0x1;
	s22 =	simm.s32 $0x1B590;
	v17 =	vmovc v10;
	[tilespmem:s21+$0xFFFFFFF0] =	vst v24;
	v18 =	vshrl.u32 v21, $0xF;
	v5 =	vand.u32 $0x7FFF, v21;
	v21 =	vsub.f32 v27, v20  }
.LBB2_14:
0xe5: {  	v18 =	vcvt.s32.f32 v18;
	(erf) = vpow2.f32 v22  }
0xe6: {  	v20 =	vld [tilespmem:s25+$0x0];
	v19 =	vadd.f32 $1.000000000e+00, v19;
	v22 =	vpop (erf);
	vm5 =	vmmov vm1;
	vm1 =	vmmov vm2  }
0xe7: {  	s24 =	sadd.s32 $0x2, s24;
	v13 =	vsub.f32 v23, v13;
	s22 =	sadd.s32 $0x20, s22;
	v21 =	vmax.f32 v21, $0.0e+00;
	v24 =	vld.idx.msk [tilespmem:v16+s13+$0x0], vm4;
	v22 =	vmul.f32 v22, v17;
	v17 =	vmovc v11  }
0xe8: {  	p5 =	slt.s32 s24, s20;
	v11 =	vmovc v25;
	v16 =	vmovc v7;
	v7 =	vmov v15;
	v26 =	vld.idx.msk [tilespmem:v15+s14+$0x0], vm2;
	v21 =	vmul.f32 $-5.129329490e-02, v21;
	[tilespmem:s22+$0x0] =	vst v19;
	v23 =	vmov v18  }
0xe9: {  	s23 =	sadd.s32 $0x20, s23;
	vm4 =	vmmov vm5;
	v15 =	vmax.f32 v13, $0.0e+00;
	v27 =	vld [tilespmem:s25+$0xFFFFFFF0];
	v18 =	vadd.f32 $1.000000000e+00, v22  }
.Ltmp9:
0xea: {  	s26 =	sadd.s32 $0xFFFFFFF0, s23;
	v19 =	vor.u32 s23, v3;
	v22 =	vmul.f32 $-5.129329490e-02, v15;
	v13 =	vld.idx.msk [tilespmem:v5+s14+$0x0], vm0;
	v21 =	vmul.f32 $1.442695020e+00, v21;
	(pc) =	sbr.rel @p5 .LBB2_14-.Ltmp9, $4  }
0xeb: {  	v28 =	vor.u32 s26, v3;
	vm2 =	vlt.s32 v19, v4;
	v19 =	vshrl.u32 v8, $0xF;
	v25 =	vld.idx.msk [tilespmem:v5+s13+$0x0], vm0;
	[tilespmem:s22+$0xFFFFFFF0] =	vst v18;
	v8 =	vmovc v20  }
0xec: {  	v20 =	vcvt.s32.f32 v19;
	v15 =	vand.u32 $0x7FFF, v8;
	(erf) = vpow2.f32 v21;
	v5 =	vpop (erf)  }
0xed: {  	vm0 =	vlt.s32 v28, v4;
	v22 =	vmul.f32 $1.442695020e+00, v22;
	v19 =	vmul.f32 v5, v24  }
0xee: {  	s25 =	sadd.s32 $0x20, s25;
	v21 =	vsub.f32 v20, v26;
	v18 =	vshrl.u32 v27, $0xF;
	v5 =	vand.u32 $0x7FFF, v27  }
0xef: {  	_ = 	snop  }
0xf0: {  	v24 =	vmovc v11;
	v20 =	vmov v23;
	v23 =	vmov v16;
	v11 =	vmov v25  }
.LBB2_16:
0xf1: {  	_ =	sdelay $0x4  }
0xf2: {  	v16 =	vld.idx.msk [tilespmem:v15+s14+$0x0], vm2  }
0xf3: {  	v25 =	vld.idx.msk [tilespmem:v5+s14+$0x0], vm0  }
0xf4: {  	(erf) = vpow2.f32 @p2 v22;
	v8 =	vshrl.u32 v8, $0xF  }
0xf5: {  	v13 =	vsub.f32 @p1 v20, v13;
	v18 =	vcvt.s32.f32 v18;
	v8 =	vcvt.s32.f32 v8  }
0xf6: {  	vm1 =	vmmov @p1 vm1;
	v20 =	vmax.f32 @p1 v21, $0.0e+00;
	vm14 =	vmmov vm2  }
0xf7: {  	v20 =	vmul.f32 @p1 $-5.129329490e-02, v20;
	v13 =	vmax.f32 @p1 v13, $0.0e+00;
	v8 =	vsub.f32 v8, v16  }
0xf8: {  	vm1 =	vmmov @p1 vm1;
	v13 =	vmul.f32 @p1 $-5.129329490e-02, v13;
	v58 =	vsub.f32 v18, v25  }
0xf9: {  	vm3 =	vmmov @p1 vm1;
	v18 =	vmul.f32 @p1 $1.442695020e+00, v20;
	v8 =	vmax.f32 v8, $0.0e+00  }
0xfa: {  	v13 =	vmul.f32 @p1 $1.442695020e+00, v13;
	v16 =	vmax.f32 v58, $0.0e+00;
	v8 =	vmul.f32 $-5.129329490e-02, v8  }
0xfb: {  	v7 =	vpsel p1, v7, v9;
	(erf) = vpow2.f32 @p1 v18;
	v59 =	vmul.f32 $-5.129329490e-02, v16  }
0xfc: {  	vm15 =	vmmov vm14;
	v13 =	vpsel p1, v13, v14;
	v8 =	vmul.f32 $1.442695020e+00, v8  }
0xfd: {  	vm1 =	vmmov vm15;
	(erf) = vpow2.f32 @p1 v13;
	v9 =	vmul.f32 $1.442695020e+00, v59  }
0xfe: {  	v13 =	vld.idx.msk @p2 [tilespmem:v23+s13+$0x0], vm4;
	(erf) = vpow2.f32 v8  }
0xff: {  	(erf) = vpow2.f32 v9  }
0x100: {  	v7 =	vld.idx.msk @p1 [tilespmem:v7+s13+$0x0], vm3  }
0x101: {  	v8 =	vpop @p3 (erf)  }
0x102: {  	v9 =	vpop @p2 (erf);
	v8 =	vmul.f32 @p3 v8, v17  }
0x103: {  	v10 =	vpsel p1, v11, v10;
	v60 =	vld.idx.msk [tilespmem:v15+s13+$0x0], vm1;
	v17 =	vmov @p2 v24;
	v14 =	vpop @p2 (erf);
	v9 =	vmul.f32 @p2 v9, v13  }
0x104: {  	s22 =	sadd.s32 @p4 $0x20, s22;
	s23 =	simm.s32 $0x1B590;
	v5 =	vld.idx.msk [tilespmem:v5+s13+$0x0], vm0;
	v16 =	vadd.f32 @p3 $1.000000000e+00, v19;
	v6 =	vpsel p2, v17, v6;
	v15 =	vpop @p1 (erf);
	v8 =	vadd.f32 @p3 $1.000000000e+00, v8  }
0x105: {  	s23 =	smov.u32 @p4 s22;
	v6 =	vmul.f32 @p2 v14, v6;
	v9 =	vpsel p2, v9, v12;
	v7 =	vmul.f32 @p1 v15, v7  }
0x106: {  	s24 =	simm.s32 $0x1B590;
	v10 =	vpsel p1, v10, v0;
	s22 =	sadd.s32 @p3 $0x20, s23;
	[tilespmem:s23+$0x0] =	vst @p3 v16;
	v11 =	vpop @p1 (erf);
	v9 =	vadd.f32 @p2 $1.000000000e+00, v9  }
0x107: {  	s24 =	smov.u32 @p3 s22;
	[tilespmem:s23+$0xFFFFFFF0] =	vst @p3 v8;
	v6 =	vadd.f32 @p2 $1.000000000e+00, v6;
	v8 =	vmul.f32 @p1 v11, v10;
	v7 =	vpsel p1, v7, v0;
	v61 =	vpop (erf)  }
0x108: {  	s22 =	sadd.s32 @p2 $0x20, s24;
	s23 =	simm.s32 $0x1B590;
	[tilespmem:s24+$0x0] =	vst @p2 v9;
	v7 =	vadd.f32 @p1 $1.000000000e+00, v7;
	v62 =	vmul.f32 v61, v60;
	v63 =	vpop (erf)  }
0x109: {  	s23 =	smov.u32 @p2 s22;
	[tilespmem:s24+$0xFFFFFFF0] =	vst @p2 v6;
	v6 =	vadd.f32 @p1 $1.000000000e+00, v8;
	v5 =	vmul.f32 v63, v5  }
0x10a: {  	s22 =	sadd.s32 @p1 $0x20, s23;
	[tilespmem:s23+$0x0] =	vst @p1 v7;
	v7 =	vadd.f32 $1.000000000e+00, v62  }
0x10b: {  	s21 =	smov.u32 @p1 s22;
	[tilespmem:s23+$0xFFFFFFF0] =	vst @p1 v6;
	v5 =	vadd.f32 $1.000000000e+00, v5  }
0x10c: {  	[tilespmem:s21+$0x0] =	vst v7  }
0x10d: {  	[tilespmem:s21+$0xFFFFFFF0] =	vst v5  }
.LBB2_17:
0x10e: {  	s21 =	ssub.s32 s18, s20  }
0x10f: {  	p1 =	slt.s32 s21, $0x1  }
0x110: {  	s20 =	sshll.u32 @!p1 s20, $0x4  }
0x111: {  	v5 =	vld @!p1 [tilespmem:s20+$0x17500];
	_ =	sdelay $0x1  }
0x112: {  	v6 =	vlaneseq.u32 @!p1  }
0x113: {  	v6 =	vor.u32 @!p1 s20, v6  }
0x114: {  	vm0 =	vlt.s32 @!p1 v6, s19  }
0x115: {  	v6 =	vand.u32 @!p1 $0x7FFF, v5;
	_ =	sdelay $0x3  }
0x116: {  	s19 =	simm.s32 @!p1 $0xFA80  }
0x117: {  	v7 =	vld.idx.msk @!p1 [tilespmem:v6+s19+$0x0], vm0;
	_ =	sdelay $0x1  }
0x118: {  	v5 =	vshrl.u32 @!p1 v5, $0xF  }
0x119: {  	v5 =	vcvt.s32.f32 @!p1 v5;
	_ =	sdelay $0x1  }
0x11a: {  	v5 =	vsub.f32 @!p1 v5, v7;
	_ =	sdelay $0x1  }
0x11b: {  	v5 =	vmax.f32 @!p1 v5, $0.0e+00  }
0x11c: {  	v5 =	vmul.f32 @!p1 $-5.129329490e-02, v5;
	_ =	sdelay $0x1  }
0x11d: {  	v5 =	vmul.f32 @!p1 $1.442695020e+00, v5;
	_ =	sdelay $0x1  }
0x11e: {  	(erf) = vpow2.f32 @!p1 v5;
	_ =	sdelay $0x3  }
0x11f: {  	s19 =	simm.s32 @!p1 $0x8000  }
0x120: {  	v5 =	vld.idx.msk @!p1 [tilespmem:v6+s19+$0x0], vm0;
	_ =	sdelay $0x3  }
0x121: {  	v6 =	vpop @!p1 (erf)  }
0x122: {  	v5 =	vmul.f32 @!p1 v6, v5;
	_ =	sdelay $0x1  }
0x123: {  	v5 =	vadd.f32 @!p1 $1.000000000e+00, v5;
	_ =	sdelay $0x1  }
0x124: {  	[tilespmem:s20+$0x1B580] =	vst @!p1 v5;
	p1 =	slt.s32 s18, $0x1  }
.Ltmp10:
0x125: {  	_ = 	snop;
	(pc) =	sbr.rel @p1 .LBB2_24-.Ltmp10, $1  }
0x126: {  	_ =	sdelay $0x3  }
0x127: {  	p2 =	sne.s32 s18, $0x1  }
.Ltmp11:
0x128: {  	_ = 	snop;
	(pc) =	sbr.rel @!p2 .LBB2_19-.Ltmp11, $3  }
0x129: {  	_ =	sdelay $0x1  }
0x12a: {  	s21 =	simm.s32 $0x17500;
	s19 =	simm.s32 $0x1B580  }
0x12b: {  	s20 =	simm.s32 $0x0;
	s18 =	sadd.s32 $0xFFFFFFFF, s18;
	p1 =	por $0x0, $0x0;
	v5 =	vld [tilespmem:s21+$0x0]  }
0x12c: {  	_ =	sdelay $0x1  }
0x12d: {  	v6 =	vor.u32 s20, v3  }
0x12e: {  	vm0 =	vlt.s32 v6, v4  }
0x12f: {  	v6 =	vld [tilespmem:s19+$0x0];
	v7 =	vand.u32 $0x7FFF, v5;
	_ =	sdelay $0x2  }
0x130: {  	p2 =	sne.s32 s18, $0x1;
	v5 =	vshrl.u32 v5, $0xF  }
.Ltmp12:
0x131: {  	v5 =	vcvt.s32.f32 v5;
	(pc) =	sbr.rel @!p2 .LBB2_21-.Ltmp12, $4  }
0x132: {  	[tilespmem:v7+s13+$0x0] =	vst.idx.msk vm0, v6  }
0x133: {  	s22 =	simm.s32 $0x17510;
	[tilespmem:v7+s14+$0x0] =	vst.idx.msk vm0, v5  }
0x134: {  	s23 =	sadd.s32 $0xFFFFFFFF, s18;
	v5 =	vld [tilespmem:s22+$0x0]  }
0x135: {  	p1 =	por $0x1, $0x1;
	s18 =	simm.s32 $0x0;
	s21 =	simm.s32 $0x1B580  }
.LBB2_22:
0x136: {  	p2 =	sne.s32 s23, $0x1;
	s18 =	sadd.s32 $0x10, s18  }
0x137: {  	v6 =	vor.u32 s18, v3  }
0x138: {  	s21 =	sadd.s32 $0x10, s21;
	vm0 =	vlt.s32 v6, v4  }
0x139: {  	v7 =	vand.u32 $0x7FFF, v5;
	v6 =	vld [tilespmem:s21+$0x0];
	_ =	sdelay $0x2  }
0x13a: {  	v5 =	vshrl.u32 v5, $0xF  }
.Ltmp13:
0x13b: {  	v5 =	vcvt.s32.f32 v5;
	(pc) =	sbr.rel @p2 .LBB2_22-.Ltmp13, $4  }
0x13c: {  	[tilespmem:v7+s13+$0x0] =	vst.idx.msk vm0, v6  }
0x13d: {  	s22 =	sadd.s32 $0x10, s22;
	[tilespmem:v7+s14+$0x0] =	vst.idx.msk vm0, v5  }
0x13e: {  	v5 =	vld [tilespmem:s22+$0x0]  }
0x13f: {  	s23 =	sadd.s32 $0xFFFFFFFF, s23  }
.Ltmp14:
0x140: {  	_ = 	snop;
	(pc) =	sbr.rel .LBB2_23-.Ltmp14, $1  }
0x141: {  	_ =	sdelay $0x3  }
.LBB2_5:
.Ltmp15:
0x142: {  	(pc) =	sbr.rel .LBB2_16-.Ltmp15, $2  }
0x143: {  	_ =	sdelay $0x2  }
0x144: {  	v15 =	vmov v7;
	s22 =	simm.s32 $0x1B590  }
.LBB2_7:
.Ltmp16:
0x145: {  	(pc) =	sbr.rel .LBB2_16-.Ltmp16, $2  }
0x146: {  	_ =	sdelay $0x2  }
0x147: {  	v15 =	vmov v9;
	s22 =	simm.s32 $0x1B590;
	v8 =	vmov v10;
	v11 =	vmov v6  }
.LBB2_21:
.Ltmp17:
0x148: {  	(pc) =	sbr.rel .LBB2_23-.Ltmp17, $2  }
0x149: {  	_ =	sdelay $0x2  }
0x14a: {  	s18 =	simm.s32 $0x0;
	s21 =	simm.s32 $0x1B580  }
.LBB2_9:
.Ltmp18:
0x14b: {  	(pc) =	sbr.rel .LBB2_16-.Ltmp18, $3  }
0x14c: {  	_ =	sdelay $0x1  }
0x14d: {  	v23 =	vmov v7  }
0x14e: {  	v24 =	vmovc v6;
	v7 =	vmovc v9;
	v20 =	vmov v12;
	s22 =	simm.s32 $0x1B590;
	v15 =	vmov v16;
	v11 =	vmov v10  }
.LBB2_11:
.Ltmp19:
0x14f: {  	(pc) =	sbr.rel .LBB2_16-.Ltmp19, $3  }
0x150: {  	_ =	sdelay $0x1  }
0x151: {  	v15 =	vmovc v7;
	v22 =	vmov v14;
	vm4 =	vmmov vm3;
	v23 =	vmov v9  }
0x152: {  	v17 =	vmovc v6;
	s22 =	simm.s32 $0x1B590;
	v24 =	vmovc v10;
	v7 =	vmov v16;
	v8 =	vmov v25;
	v19 =	vmov v12  }
.LBB2_13:
.Ltmp20:
0x153: {  	(pc) =	sbr.rel .LBB2_16-.Ltmp20, $2  }
0x154: {  	_ =	sdelay $0x2  }
0x155: {  	v24 =	vmovc v11;
	v20 =	vmovc v23;
	v23 =	vmov v16;
	v17 =	vmov v10;
	s22 =	simm.s32 $0x1B590;
	v11 =	vmov v25  }
.LBB2_25:
0x156: {  	_ =	sfence.sel $0x180000  }
0x157: {  	[bflag:$0x0] =	sbarrier.arrive $0xFFFF  }
0x158: {  	p0 =	sne.s32 s0, $0x0;
	_ =	strace $0x90000047  }
0x159: {  	s0 =	sadd.s32 @!p0 $0x100000, s3;
	[bflag:$0x2] =	sbarrier.arrive $0xFFFF  }
0x15a: {  	[sflag:s0] =	ssyncadd.tile.s32 @!p0 $0x1;
	_ =	shalt  }
.Lfunc_end2:
_tile_overlayer_lowered:
.L_overlay_start_2:
0x15b: {  	(tag) =	ssettag $0x2  }
0x15c: {  	s0 =	rddreg [dreg:$0x0];
	s2 =	stileid.u32  }
0x15d: {  	s1 =	rddreg [dreg:$0x1];
	p0 =	sne.s32 s2, $0x0  }
0x15e: {  	s3 =	rddreg [dreg:$0x2];
	[bflag:$0x3] =	sbarrier.arrive $0xFFFF;
	s2 =	simm.s32 @!p0 $0x1C03  }
0x15f: {  	[timem:s3], [sflag:s2] =	dma.local @!p0 [hbm:s0], s1  }
0x160: {  	s0 =	simm.s32 @!p0 $0x3  }
0x161: {  	_ =	swait.ge @!p0 [sflag:s0], s1  }
0x162: {  	s1 =	ssub.s32 @!p0 $0x0, s1;
	[sflag:s0] =	ssyncset.done @!p0 $0x0  }
0x163: {  	[sflag:s0] =	ssyncadd.s32 @!p0 s1  }
0x164: {  	[bflag:$0x3] =	sbarrier.arrive $0xFFFF  }
0x165: {  	_ =	shalt  }

</sc_bundles>
